<compile_context>
chip_gen: v7x
topology: tpu7x:2x2x1
jax: 0.10.2.dev20260603
libtpu: 0.0.44.dev20260713+nightly
codegen_flags: <defaults>
</compile_context>

<pallas_src>
import functools

import numpy as np
import jax
import jax.numpy as jnp
from jax import lax
from jax.experimental import pallas as pl
from jax.experimental.pallas import tpu as pltpu, tpu_sc as plsc

_NUM_TIME = 8
_NUM_LABEL = 4
_SPLIT = 6
_D = 32
_NSEG = _NUM_TIME * _NUM_LABEL

_RC = 5000


_SC_NW = 25
_SC_ROWS = 4000
_SC_CH = 400
_SC_SW = 48
_SC_ACC = 33 * _SC_SW


def _sc_segsum(x, segf):
    mesh = plsc.VectorSubcoreMesh(core_axis_name="c", subcore_axis_name="s")

    @functools.partial(
        pl.kernel, mesh=mesh,
        out_type=jax.ShapeDtypeStruct((_SC_NW, _SC_ACC), jnp.float32),
        scratch_types=[
            pltpu.VMEM((_SC_CH, _D), jnp.float32),
            pltpu.VMEM((_SC_CH,), jnp.int32),
            pltpu.VMEM((_SC_ACC,), jnp.float32),
        ],
    )
    def k(x_hbm, seg_hbm, out_hbm, xv, segv, acc):
        wid = lax.axis_index("s") * 2 + lax.axis_index("c")

        @pl.when(wid < _SC_NW)
        def _():
            for z in range(_SC_ACC // 16):
                acc[pl.ds(z * 16, 16)] = jnp.zeros((16,), jnp.float32)
            ones16 = jnp.ones((16,), jnp.float32)

            def chunk_body(c, carry):
                base = wid * _SC_ROWS + c * _SC_CH
                pltpu.sync_copy(x_hbm.at[pl.ds(base, _SC_CH)], xv)
                pltpu.sync_copy(seg_hbm.at[pl.ds(base, _SC_CH)], segv)

                def row_body(g, carry2):
                    sv = segv[pl.ds(g * 16, 16)]
                    for u in range(16):
                        row = g * 16 + u
                        sb = sv[u] * _SC_SW
                        a0 = acc[pl.ds(sb, 16)]
                        acc[pl.ds(sb, 16)] = a0 + xv[row, pl.ds(0, 16)]
                        a1 = acc[pl.ds(sb + 16, 16)]
                        acc[pl.ds(sb + 16, 16)] = a1 + xv[row, pl.ds(16, 16)]
                        a2 = acc[pl.ds(sb + 32, 16)]
                        acc[pl.ds(sb + 32, 16)] = a2 + ones16
                    return carry2

                lax.fori_loop(0, _SC_CH // 16, row_body, 0)
                return carry

            lax.fori_loop(0, _SC_ROWS // _SC_CH, chunk_body, 0)
            pltpu.sync_copy(acc, out_hbm.at[wid])

    return k(x, segf)


def _apply_body(x_ref, seg_ref, w_ref, o_ref):
    xx = x_ref[...]
    sg = seg_ref[...]
    r = xx.shape[0]
    xb = xx.astype(jnp.bfloat16)
    tt = sg // _NUM_LABEL
    sgb = sg.astype(jnp.bfloat16)

    x128 = jnp.concatenate([xb] * _NUM_LABEL, axis=1)
    xt768 = jnp.concatenate([x128] * _SPLIT, axis=1)
    patt = (lax.broadcasted_iota(jnp.int32, (r, _SPLIT * _NUM_LABEL * _D), 1)
            // _D).astype(jnp.bfloat16)
    z768 = jnp.where(sgb == patt, xt768, jnp.bfloat16(0))
    p128 = lax.broadcasted_iota(jnp.int32, (r, 128), 1).astype(jnp.bfloat16)
    ohs128 = (sgb == p128).astype(jnp.bfloat16)
    z = jnp.concatenate([z768, ohs128], axis=1)
    y = lax.dot_general(z, w_ref[...], (((1,), (0,)), ((), ())),
                        preferred_element_type=jnp.float32)
    o_ref[...] = jnp.where(tt < _SPLIT, y, xx)


def _transform_bank(prev_x, labels, P):
    covs = []
    for y in range(_NUM_LABEL):
        mask = (labels == y).astype(prev_x.dtype)
        n = mask.sum()
        mean = (prev_x * mask[:, None]).sum(0) / n
        xc = (prev_x - mean[None, :]) * mask[:, None]
        covs.append(xc.T @ xc / (n - 1.0))
    prev_cov = jnp.stack(covs)

    t = np.arange(_NUM_TIME)
    cond = np.abs(t[None, :] - t[:, None]) > np.minimum(_NUM_TIME - 1 - t, t)[:, None]
    f2 = jnp.asarray(np.where(cond, 2.0, 1.0), dtype=jnp.float32)
    f4 = jnp.asarray(np.where(cond, 4.0, 1.0), dtype=jnp.float32)
    denom = jnp.einsum('atbs,ts->at', P, f2)
    denom2 = denom * denom
    temp = jnp.einsum('atbs,ts->atb', P, f4) / denom2[:, :, None]
    current_cov = jnp.einsum('atb,bij->atij', temp, prev_cov)

    lall, qall = jnp.linalg.eigh(current_cov)
    l_max = lall[:, _NUM_TIME - 1]
    q_max = qall[:, _NUM_TIME - 1]
    left = q_max * jnp.sqrt(l_max)[:, None, :]
    right = qall * (1.0 / jnp.sqrt(lall))[:, :, None, :]
    a = jnp.einsum('yik,ytjk->ytij', left, right)
    return left, right, a


def kernel(prev_x, x, labels, times, P):
    n = x.shape[0]
    segf = times.astype(jnp.int32) * _NUM_LABEL + labels.astype(jnp.int32)
    seg = segf.reshape(n, 1)

    left, right, a = _transform_bank(prev_x, labels, P)

    o2p = _sc_segsum(x, segf)
    o2 = o2p.sum(0)[:_NSEG * _SC_SW].reshape(_NSEG, _SC_SW)
    mu = o2[:, :_D] / jnp.maximum(o2[:, _D], 1.0)[:, None]
    a_seg = jnp.transpose(a, (1, 0, 2, 3)).reshape(_NSEG, _D, _D)
    b_seg = mu - jnp.einsum('sij,sj->si', a_seg, mu)
    w1 = jnp.transpose(a[:, :_SPLIT], (1, 0, 3, 2)).reshape(
        _SPLIT * _NUM_LABEL * _D, _D)
    b_pad = jnp.concatenate(
        [b_seg, jnp.zeros((128 - _NSEG, _D), jnp.float32)], axis=0)
    w_bank = jnp.concatenate([w1, b_pad], axis=0).astype(jnp.bfloat16)

    kw = _SPLIT * _NUM_LABEL * _D + 128
    out = pl.pallas_call(
        _apply_body,
        grid=(n // _RC,),
        in_specs=[
            pl.BlockSpec((_RC, _D), lambda i: (i, 0)),
            pl.BlockSpec((_RC, 1), lambda i: (i, 0)),
            pl.BlockSpec((kw, _D), lambda i: (0, 0)),
        ],
        out_specs=pl.BlockSpec((_RC, _D), lambda i: (i, 0)),
        out_shape=jax.ShapeDtypeStruct((n, _D), jnp.float32),
    )(x, seg, w_bank)
    return out

# --- scband reference (transcript-rebuilt; emitter-appended) ---
"""Pipeline reference for scband-pny-21474836480018 (READ-ONLY COPY).

The authoritative reference and input builder live on the scoring server;
editing this copy changes nothing except your own understanding.
"""

import jax, jax.numpy as jnp
import numpy as np

NUM_TIME = 8
NUM_LABEL = 4
SPLIT = 6
N = 100000
D = 32


def setup_inputs(seed: int = 0) -> dict:
    key = jax.random.key(seed)
    k1, k2, k3, k4, k5 = jax.random.split(key, 5)
    prev_x = jax.random.normal(k1, (N, D), dtype=jnp.float32)
    x = jax.random.normal(k2, (N, D), dtype=jnp.float32)
    labels = jax.random.randint(k3, (N,), 0, NUM_LABEL)
    times = jax.random.randint(k4, (N,), 0, NUM_TIME)
    P = jax.random.uniform(k5, (NUM_LABEL, NUM_TIME, NUM_LABEL, NUM_TIME), dtype=jnp.float32)
    return {"prev_x": prev_x, "x": x, "labels": labels, "times": times, "P": P}


def _forward(prev_x, x, P, labels, times):
    # per-label covariance of prev_x (torch.cov semantics, correction=1)
    covs = []
    for y in range(NUM_LABEL):
        mask = (labels == y).astype(prev_x.dtype)
        n = mask.sum()
        mean = (prev_x * mask[:, None]).sum(0) / n
        xc = (prev_x - mean[None, :]) * mask[:, None]
        covs.append(xc.T @ xc / (n - 1.0))
    prev_cov = jnp.stack(covs)  # [L, D, D]

    t = np.arange(NUM_TIME)
    cond = np.abs(t[None, :] - t[:, None]) > np.minimum(NUM_TIME - 1 - t, t)[:, None]  # [t1, t2]
    f2 = jnp.asarray(np.where(cond, 2.0, 1.0), dtype=jnp.float32)
    f4 = jnp.asarray(np.where(cond, 4.0, 1.0), dtype=jnp.float32)
    denom = jnp.einsum('atbs,ts->at', P, f2)  # [y1, t1]
    denom2 = denom * denom
    temp = jnp.einsum('atbs,ts->atb', P, f4) / denom2[:, :, None]  # [y1, t1, y2]
    current_cov = jnp.einsum('atb,bij->atij', temp, prev_cov)  # [L, T, D, D]

    Lall, Qall = jnp.linalg.eigh(current_cov)  # [L, T, D], [L, T, D, D]
    L_max = Lall[:, NUM_TIME - 1]  # [L, D]
    Q_max = Qall[:, NUM_TIME - 1]  # [L, D, D]
    left = Q_max * jnp.sqrt(L_max)[:, None, :]  # Q_max @ diag(sqrt(L_max))
    right = Qall * (1.0 / jnp.sqrt(Lall))[:, :, None, :]  # Q @ diag(1/sqrt(L))
    A = jnp.einsum('yik,ytjk->ytij', left, right)  # [L, T, D, D] transform bank

    # scatter-add train means over (time, label) buckets
    seg = times * NUM_LABEL + labels
    nseg = NUM_TIME * NUM_LABEL
    sums = jax.ops.segment_sum(x, seg, num_segments=nseg)
    cnt = jax.ops.segment_sum(jnp.ones((x.shape[0],), x.dtype), seg, num_segments=nseg)
    mean = sums / jnp.maximum(cnt, 1.0)[:, None]
    mean = mean.reshape(NUM_TIME, NUM_LABEL, x.shape[1])

    mu = mean[times, labels]  # gather [N, D]
    At = A[labels, times]  # gather [N, D, D]
    transformed = jnp.einsum('nij,nj->ni', At, x - mu) + mu
    out = jnp.where((times < SPLIT)[:, None], transformed, x)
    return out


def reference(prev_x, x, labels, times, P):
    return _forward(prev_x, x, P, labels, times)

if __name__ == "__main__":
    import jax
    _d = setup_inputs()
    print(jax.jit(kernel)(*tuple(_d.values())))

</pallas_src>

<mosaic_0001>
#map = affine_map<(d0, d1) -> (0, 0)>
#map1 = affine_map<(d0, d1) -> (0)>
module attributes {stable_mosaic.version = 14 : i64} {
  func.func @k(%arg0: i32, %arg1: i32, %arg2: memref<100000x32xf32, #tpu.memory_space<hbm>>, %arg3: memref<100000xi32, #tpu.memory_space<hbm>>, %arg4: memref<25x1584xf32, #tpu.memory_space<hbm>>, %arg5: memref<400x32xf32, #tpu.memory_space<vmem>>, %arg6: memref<400xi32, #tpu.memory_space<vmem>>, %arg7: memref<1584xf32, #tpu.memory_space<vmem>>) attributes {dimension_semantics = [#tpu.dimension_semantics<core_parallel>, #tpu.dimension_semantics<subcore_parallel>], iteration_bounds = array<i64: 2, 16>, scalar_prefetch = 0 : i64, scratch_operands = 3 : i64, tpu.core_type = #tpu.core_type<sc_vector_subcore>, window_params = [{transform_indices = #map}, {transform_indices = #map1}, {transform_indices = #map}]} {
    %mul3A = arith.constant 2 : i32
    %mul3A_0 = arith.muli %arg1, %mul3A : i32
    %add3A = arith.addi %mul3A_0, %arg0 : i32
    %lt3A = arith.constant 25 : i32
    %lt3A_1 = arith.cmpi slt, %add3A, %lt3A : i32
    %convert_element_type3A = arith.extui %lt3A_1 : i1 to i32
    %cond3A = arith.constant 0 : i32
    %cond3A_2 = arith.cmpi ne, %convert_element_type3A, %cond3A : i32
    scf.if %cond3A_2 {
      %broadcast_in_dim3A = arith.constant 0.000000e+00 : f32
      %broadcast_in_dim3A_3 = vector.broadcast %broadcast_in_dim3A : f32 to vector<16xf32>
      %swap3A = arith.constant 0 : index
      %swap3A_4 = tpu.vector_load %arg7[%swap3A] {strides = array<i32>} : memref<1584xf32, #tpu.memory_space<vmem>>, vector<16xf32>,
      %swap3A_5 = vector.shape_cast %swap3A_4 : vector<16xf32> to vector<16xf32>
      %swap3A_6 = vector.shape_cast %broadcast_in_dim3A_3 : vector<16xf32> to vector<16xf32>
      tpu.vector_store %arg7[%swap3A], %swap3A_6 {strides = array<i32>} : memref<1584xf32, #tpu.memory_space<vmem>>, vector<16xf32>,
      %broadcast_in_dim3A_7 = arith.constant 0.000000e+00 : f32
      %broadcast_in_dim3A_8 = vector.broadcast %broadcast_in_dim3A_7 : f32 to vector<16xf32>
      %swap3A_9 = arith.constant 16 : index
      %swap3A_10 = tpu.vector_load %arg7[%swap3A_9] {strides = array<i32>} : memref<1584xf32, #tpu.memory_space<vmem>>, vector<16xf32>,
      %swap3A_11 = vector.shape_cast %swap3A_10 : vector<16xf32> to vector<16xf32>
      %swap3A_12 = vector.shape_cast %broadcast_in_dim3A_8 : vector<16xf32> to vector<16xf32>
      tpu.vector_store %arg7[%swap3A_9], %swap3A_12 {strides = array<i32>} : memref<1584xf32, #tpu.memory_space<vmem>>, vector<16xf32>,
      %broadcast_in_dim3A_13 = arith.constant 0.000000e+00 : f32
      %broadcast_in_dim3A_14 = vector.broadcast %broadcast_in_dim3A_13 : f32 to vector<16xf32>
      %swap3A_15 = arith.constant 32 : index
      %swap3A_16 = tpu.vector_load %arg7[%swap3A_15] {strides = array<i32>} : memref<1584xf32, #tpu.memory_space<vmem>>, vector<16xf32>,
      %swap3A_17 = vector.shape_cast %swap3A_16 : vector<16xf32> to vector<16xf32>
      %swap3A_18 = vector.shape_cast %broadcast_in_dim3A_14 : vector<16xf32> to vector<16xf32>
      tpu.vector_store %arg7[%swap3A_15], %swap3A_18 {strides = array<i32>} : memref<1584xf32, #tpu.memory_space<vmem>>, vector<16xf32>,
      %broadcast_in_dim3A_19 = arith.constant 0.000000e+00 : f32
      %broadcast_in_dim3A_20 = vector.broadcast %broadcast_in_dim3A_19 : f32 to vector<16xf32>
      %swap3A_21 = arith.constant 48 : index
      %swap3A_22 = tpu.vector_load %arg7[%swap3A_21] {strides = array<i32>} : memref<1584xf32, #tpu.memory_space<vmem>>, vector<16xf32>,
      %swap3A_23 = vector.shape_cast %swap3A_22 : vector<16xf32> to vector<16xf32>
      %swap3A_24 = vector.shape_cast %broadcast_in_dim3A_20 : vector<16xf32> to vector<16xf32>
      tpu.vector_store %arg7[%swap3A_21], %swap3A_24 {strides = array<i32>} : memref<1584xf32, #tpu.memory_space<vmem>>, vector<16xf32>,
      %broadcast_in_dim3A_25 = arith.constant 0.000000e+00 : f32
      %broadcast_in_dim3A_26 = vector.broadcast %broadcast_in_dim3A_25 : f32 to vector<16xf32>
      %swap3A_27 = arith.constant 64 : index
      %swap3A_28 = tpu.vector_load %arg7[%swap3A_27] {strides = array<i32>} : memref<1584xf32, #tpu.memory_space<vmem>>, vector<16xf32>,
      %swap3A_29 = vector.shape_cast %swap3A_28 : vector<16xf32> to vector<16xf32>
      %swap3A_30 = vector.shape_cast %broadcast_in_dim3A_26 : vector<16xf32> to vector<16xf32>
      tpu.vector_store %arg7[%swap3A_27], %swap3A_30 {strides = array<i32>} : memref<1584xf32, #tpu.memory_space<vmem>>, vector<16xf32>,
      %broadcast_in_dim3A_31 = arith.constant 0.000000e+00 : f32
      %broadcast_in_dim3A_32 = vector.broadcast %broadcast_in_dim3A_31 : f32 to vector<16xf32>
      %swap3A_33 = arith.constant 80 : index
      %swap3A_34 = tpu.vector_load %arg7[%swap3A_33] {strides = array<i32>} : memref<1584xf32, #tpu.memory_space<vmem>>, vector<16xf32>,
      %swap3A_35 = vector.shape_cast %swap3A_34 : vector<16xf32> to vector<16xf32>
      %swap3A_36 = vector.shape_cast %broadcast_in_dim3A_32 : vector<16xf32> to vector<16xf32>
      tpu.vector_store %arg7[%swap3A_33], %swap3A_36 {strides = array<i32>} : memref<1584xf32, #tpu.memory_space<vmem>>, vector<16xf32>,
      %broadcast_in_dim3A_37 = arith.constant 0.000000e+00 : f32
      %broadcast_in_dim3A_38 = vector.broadcast %broadcast_in_dim3A_37 : f32 to vector<16xf32>
      %swap3A_39 = arith.constant 96 : index
      %swap3A_40 = tpu.vector_load %arg7[%swap3A_39] {strides = array<i32>} : memref<1584xf32, #tpu.memory_space<vmem>>, vector<16xf32>,
      %swap3A_41 = vector.shape_cast %swap3A_40 : vector<16xf32> to vector<16xf32>
      %swap3A_42 = vector.shape_cast %broadcast_in_dim3A_38 : vector<16xf32> to vector<16xf32>
      tpu.vector_store %arg7[%swap3A_39], %swap3A_42 {strides = array<i32>} : memref<1584xf32, #tpu.memory_space<vmem>>, vector<16xf32>,
      %broadcast_in_dim3A_43 = arith.constant 0.000000e+00 : f32
      %broadcast_in_dim3A_44 = vector.broadcast %broadcast_in_dim3A_43 : f32 to vector<16xf32>
      %swap3A_45 = arith.constant 112 : index
      %swap3A_46 = tpu.vector_load %arg7[%swap3A_45] {strides = array<i32>} : memref<1584xf32, #tpu.memory_space<vmem>>, vector<16xf32>,
      %swap3A_47 = vector.shape_cast %swap3A_46 : vector<16xf32> to vector<16xf32>
      %swap3A_48 = vector.shape_cast %broadcast_in_dim3A_44 : vector<16xf32> to vector<16xf32>
      tpu.vector_store %arg7[%swap3A_45], %swap3A_48 {strides = array<i32>} : memref<1584xf32, #tpu.memory_space<vmem>>, vector<16xf32>,
      %broadcast_in_dim3A_49 = arith.constant 0.000000e+00 : f32
      %broadcast_in_dim3A_50 = vector.broadcast %broadcast_in_dim3A_49 : f32 to vector<16xf32>
      %swap3A_51 = arith.constant 128 : index
      %swap3A_52 = tpu.vector_load %arg7[%swap3A_51] {strides = array<i32>} : memref<1584xf32, #tpu.memory_space<vmem>>, vector<16xf32>,
      %swap3A_53 = vector.shape_cast %swap3A_52 : vector<16xf32> to vector<16xf32>
      %swap3A_54 = vector.shape_cast %broadcast_in_dim3A_50 : vector<16xf32> to vector<16xf32>
      tpu.vector_store %arg7[%swap3A_51], %swap3A_54 {strides = array<i32>} : memref<1584xf32, #tpu.memory_space<vmem>>, vector<16xf32>,
      %broadcast_in_dim3A_55 = arith.constant 0.000000e+00 : f32
      %broadcast_in_dim3A_56 = vector.broadcast %broadcast_in_dim3A_55 : f32 to vector<16xf32>
      %swap3A_57 = arith.constant 144 : index
      %swap3A_58 = tpu.vector_load %arg7[%swap3A_57] {strides = array<i32>} : memref<1584xf32, #tpu.memory_space<vmem>>, vector<16xf32>,
      %swap3A_59 = vector.shape_cast %swap3A_58 : vector<16xf32> to vector<16xf32>
      %swap3A_60 = vector.shape_cast %broadcast_in_dim3A_56 : vector<16xf32> to vector<16xf32>
      tpu.vector_store %arg7[%swap3A_57], %swap3A_60 {strides = array<i32>} : memref<1584xf32, #tpu.memory_space<vmem>>, vector<16xf32>,
      %broadcast_in_dim3A_61 = arith.constant 0.000000e+00 : f32
      %broadcast_in_dim3A_62 = vector.broadcast %broadcast_in_dim3A_61 : f32 to vector<16xf32>
      %swap3A_63 = arith.constant 160 : index
      %swap3A_64 = tpu.vector_load %arg7[%swap3A_63] {strides = array<i32>} : memref<1584xf32, #tpu.memory_space<vmem>>, vector<16xf32>,
      %swap3A_65 = vector.shape_cast %swap3A_64 : vector<16xf32> to vector<16xf32>
      %swap3A_66 = vector.shape_cast %broadcast_in_dim3A_62 : vector<16xf32> to vector<16xf32>
      tpu.vector_store %arg7[%swap3A_63], %swap3A_66 {strides = array<i32>} : memref<1584xf32, #tpu.memory_space<vmem>>, vector<16xf32>,
      %broadcast_in_dim3A_67 = arith.constant 0.000000e+00 : f32
      %broadcast_in_dim3A_68 = vector.broadcast %broadcast_in_dim3A_67 : f32 to vector<16xf32>
      %swap3A_69 = arith.constant 176 : index
      %swap3A_70 = tpu.vector_load %arg7[%swap3A_69] {strides = array<i32>} : memref<1584xf32, #tpu.memory_space<vmem>>, vector<16xf32>,
      %swap3A_71 = vector.shape_cast %swap3A_70 : vector<16xf32> to vector<16xf32>
      %swap3A_72 = vector.shape_cast %broadcast_in_dim3A_68 : vector<16xf32> to vector<16xf32>
      tpu.vector_store %arg7[%swap3A_69], %swap3A_72 {strides = array<i32>} : memref<1584xf32, #tpu.memory_space<vmem>>, vector<16xf32>,
      %broadcast_in_dim3A_73 = arith.constant 0.000000e+00 : f32
      %broadcast_in_dim3A_74 = vector.broadcast %broadcast_in_dim3A_73 : f32 to vector<16xf32>
      %swap3A_75 = arith.constant 192 : index
      %swap3A_76 = tpu.vector_load %arg7[%swap3A_75] {strides = array<i32>} : memref<1584xf32, #tpu.memory_space<vmem>>, vector<16xf32>,
      %swap3A_77 = vector.shape_cast %swap3A_76 : vector<16xf32> to vector<16xf32>
      %swap3A_78 = vector.shape_cast %broadcast_in_dim3A_74 : vector<16xf32> to vector<16xf32>
      tpu.vector_store %arg7[%swap3A_75], %swap3A_78 {strides = array<i32>} : memref<1584xf32, #tpu.memory_space<vmem>>, vector<16xf32>,
      %broadcast_in_dim3A_79 = arith.constant 0.000000e+00 : f32
      %broadcast_in_dim3A_80 = vector.broadcast %broadcast_in_dim3A_79 : f32 to vector<16xf32>
      %swap3A_81 = arith.constant 208 : index
      %swap3A_82 = tpu.vector_load %arg7[%swap3A_81] {strides = array<i32>} : memref<1584xf32, #tpu.memory_space<vmem>>, vector<16xf32>,
      %swap3A_83 = vector.shape_cast %swap3A_82 : vector<16xf32> to vector<16xf32>
      %swap3A_84 = vector.shape_cast %broadcast_in_dim3A_80 : vector<16xf32> to vector<16xf32>
      tpu.vector_store %arg7[%swap3A_81], %swap3A_84 {strides = array<i32>} : memref<1584xf32, #tpu.memory_space<vmem>>, vector<16xf32>,
      %broadcast_in_dim3A_85 = arith.constant 0.000000e+00 : f32
      %broadcast_in_dim3A_86 = vector.broadcast %broadcast_in_dim3A_85 : f32 to vector<16xf32>
      %swap3A_87 = arith.constant 224 : index
      %swap3A_88 = tpu.vector_load %arg7[%swap3A_87] {strides = array<i32>} : memref<1584xf32, #tpu.memory_space<vmem>>, vector<16xf32>,
      %swap3A_89 = vector.shape_cast %swap3A_88 : vector<16xf32> to vector<16xf32>
      %swap3A_90 = vector.shape_cast %broadcast_in_dim3A_86 : vector<16xf32> to vector<16xf32>
      tpu.vector_store %arg7[%swap3A_87], %swap3A_90 {strides = array<i32>} : memref<1584xf32, #tpu.memory_space<vmem>>, vector<16xf32>,
      %broadcast_in_dim3A_91 = arith.constant 0.000000e+00 : f32
      %broadcast_in_dim3A_92 = vector.broadcast %broadcast_in_dim3A_91 : f32 to vector<16xf32>
      %swap3A_93 = arith.constant 240 : index
      %swap3A_94 = tpu.vector_load %arg7[%swap3A_93] {strides = array<i32>} : memref<1584xf32, #tpu.memory_space<vmem>>, vector<16xf32>,
      %swap3A_95 = vector.shape_cast %swap3A_94 : vector<16xf32> to vector<16xf32>
      %swap3A_96 = vector.shape_cast %broadcast_in_dim3A_92 : vector<16xf32> to vector<16xf32>
      tpu.vector_store %arg7[%swap3A_93], %swap3A_96 {strides = array<i32>} : memref<1584xf32, #tpu.memory_space<vmem>>, vector<16xf32>,
      %broadcast_in_dim3A_97 = arith.constant 0.000000e+00 : f32
      %broadcast_in_dim3A_98 = vector.broadcast %broadcast_in_dim3A_97 : f32 to vector<16xf32>
      %swap3A_99 = arith.constant 256 : index
      %swap3A_100 = tpu.vector_load %arg7[%swap3A_99] {strides = array<i32>} : memref<1584xf32, #tpu.memory_space<vmem>>, vector<16xf32>,
      %swap3A_101 = vector.shape_cast %swap3A_100 : vector<16xf32> to vector<16xf32>
      %swap3A_102 = vector.shape_cast %broadcast_in_dim3A_98 : vector<16xf32> to vector<16xf32>
      tpu.vector_store %arg7[%swap3A_99], %swap3A_102 {strides = array<i32>} : memref<1584xf32, #tpu.memory_space<vmem>>, vector<16xf32>,
      %broadcast_in_dim3A_103 = arith.constant 0.000000e+00 : f32
      %broadcast_in_dim3A_104 = vector.broadcast %broadcast_in_dim3A_103 : f32 to vector<16xf32>
      %swap3A_105 = arith.constant 272 : index
      %swap3A_106 = tpu.vector_load %arg7[%swap3A_105] {strides = array<i32>} : memref<1584xf32, #tpu.memory_space<vmem>>, vector<16xf32>,
      %swap3A_107 = vector.shape_cast %swap3A_106 : vector<16xf32> to vector<16xf32>
      %swap3A_108 = vector.shape_cast %broadcast_in_dim3A_104 : vector<16xf32> to vector<16xf32>
      tpu.vector_store %arg7[%swap3A_105], %swap3A_108 {strides = array<i32>} : memref<1584xf32, #tpu.memory_space<vmem>>, vector<16xf32>,
      %broadcast_in_dim3A_109 = arith.constant 0.000000e+00 : f32
      %broadcast_in_dim3A_110 = vector.broadcast %broadcast_in_dim3A_109 : f32 to vector<16xf32>
      %swap3A_111 = arith.constant 288 : index
      %swap3A_112 = tpu.vector_load %arg7[%swap3A_111] {strides = array<i32>} : memref<1584xf32, #tpu.memory_space<vmem>>, vector<16xf32>,
      %swap3A_113 = vector.shape_cast %swap3A_112 : vector<16xf32> to vector<16xf32>
      %swap3A_114 = vector.shape_cast %broadcast_in_dim3A_110 : vector<16xf32> to vector<16xf32>
      tpu.vector_store %arg7[%swap3A_111], %swap3A_114 {strides = array<i32>} : memref<1584xf32, #tpu.memory_space<vmem>>, vector<16xf32>,
      %broadcast_in_dim3A_115 = arith.constant 0.000000e+00 : f32
      %broadcast_in_dim3A_116 = vector.broadcast %broadcast_in_dim3A_115 : f32 to vector<16xf32>
      %swap3A_117 = arith.constant 304 : index
      %swap3A_118 = tpu.vector_load %arg7[%swap3A_117] {strides = array<i32>} : memref<1584xf32, #tpu.memory_space<vmem>>, vector<16xf32>,
      %swap3A_119 = vector.shape_cast %swap3A_118 : vector<16xf32> to vector<16xf32>
      %swap3A_120 = vector.shape_cast %broadcast_in_dim3A_116 : vector<16xf32> to vector<16xf32>
      tpu.vector_store %arg7[%swap3A_117], %swap3A_120 {strides = array<i32>} : memref<1584xf32, #tpu.memory_space<vmem>>, vector<16xf32>,
      %broadcast_in_dim3A_121 = arith.constant 0.000000e+00 : f32
      %broadcast_in_dim3A_122 = vector.broadcast %broadcast_in_dim3A_121 : f32 to vector<16xf32>
      %swap3A_123 = arith.constant 320 : index
      %swap3A_124 = tpu.vector_load %arg7[%swap3A_123] {strides = array<i32>} : memref<1584xf32, #tpu.memory_space<vmem>>, vector<16xf32>,
      %swap3A_125 = vector.shape_cast %swap3A_124 : vector<16xf32> to vector<16xf32>
      %swap3A_126 = vector.shape_cast %broadcast_in_dim3A_122 : vector<16xf32> to vector<16xf32>
      tpu.vector_store %arg7[%swap3A_123], %swap3A_126 {strides = array<i32>} : memref<1584xf32, #tpu.memory_space<vmem>>, vector<16xf32>,
      %broadcast_in_dim3A_127 = arith.constant 0.000000e+00 : f32
      %broadcast_in_dim3A_128 = vector.broadcast %broadcast_in_dim3A_127 : f32 to vector<16xf32>
      %swap3A_129 = arith.constant 336 : index
      %swap3A_130 = tpu.vector_load %arg7[%swap3A_129] {strides = array<i32>} : memref<1584xf32, #tpu.memory_space<vmem>>, vector<16xf32>,
      %swap3A_131 = vector.shape_cast %swap3A_130 : vector<16xf32> to vector<16xf32>
      %swap3A_132 = vector.shape_cast %broadcast_in_dim3A_128 : vector<16xf32> to vector<16xf32>
      tpu.vector_store %arg7[%swap3A_129], %swap3A_132 {strides = array<i32>} : memref<1584xf32, #tpu.memory_space<vmem>>, vector<16xf32>,
      %broadcast_in_dim3A_133 = arith.constant 0.000000e+00 : f32
      %broadcast_in_dim3A_134 = vector.broadcast %broadcast_in_dim3A_133 : f32 to vector<16xf32>
      %swap3A_135 = arith.constant 352 : index
      %swap3A_136 = tpu.vector_load %arg7[%swap3A_135] {strides = array<i32>} : memref<1584xf32, #tpu.memory_space<vmem>>, vector<16xf32>,
      %swap3A_137 = vector.shape_cast %swap3A_136 : vector<16xf32> to vector<16xf32>
      %swap3A_138 = vector.shape_cast %broadcast_in_dim3A_134 : vector<16xf32> to vector<16xf32>
      tpu.vector_store %arg7[%swap3A_135], %swap3A_138 {strides = array<i32>} : memref<1584xf32, #tpu.memory_space<vmem>>, vector<16xf32>,
      %broadcast_in_dim3A_139 = arith.constant 0.000000e+00 : f32
      %broadcast_in_dim3A_140 = vector.broadcast %broadcast_in_dim3A_139 : f32 to vector<16xf32>
      %swap3A_141 = arith.constant 368 : index
      %swap3A_142 = tpu.vector_load %arg7[%swap3A_141] {strides = array<i32>} : memref<1584xf32, #tpu.memory_space<vmem>>, vector<16xf32>,
      %swap3A_143 = vector.shape_cast %swap3A_142 : vector<16xf32> to vector<16xf32>
      %swap3A_144 = vector.shape_cast %broadcast_in_dim3A_140 : vector<16xf32> to vector<16xf32>
      tpu.vector_store %arg7[%swap3A_141], %swap3A_144 {strides = array<i32>} : memref<1584xf32, #tpu.memory_space<vmem>>, vector<16xf32>,
      %broadcast_in_dim3A_145 = arith.constant 0.000000e+00 : f32
      %broadcast_in_dim3A_146 = vector.broadcast %broadcast_in_dim3A_145 : f32 to vector<16xf32>
      %swap3A_147 = arith.constant 384 : index
      %swap3A_148 = tpu.vector_load %arg7[%swap3A_147] {strides = array<i32>} : memref<1584xf32, #tpu.memory_space<vmem>>, vector<16xf32>,
      %swap3A_149 = vector.shape_cast %swap3A_148 : vector<16xf32> to vector<16xf32>
      %swap3A_150 = vector.shape_cast %broadcast_in_dim3A_146 : vector<16xf32> to vector<16xf32>
      tpu.vector_store %arg7[%swap3A_147], %swap3A_150 {strides = array<i32>} : memref<1584xf32, #tpu.memory_space<vmem>>, vector<16xf32>,
      %broadcast_in_dim3A_151 = arith.constant 0.000000e+00 : f32
      %broadcast_in_dim3A_152 = vector.broadcast %broadcast_in_dim3A_151 : f32 to vector<16xf32>
      %swap3A_153 = arith.constant 400 : index
      %swap3A_154 = tpu.vector_load %arg7[%swap3A_153] {strides = array<i32>} : memref<1584xf32, #tpu.memory_space<vmem>>, vector<16xf32>,
      %swap3A_155 = vector.shape_cast %swap3A_154 : vector<16xf32> to vector<16xf32>
      %swap3A_156 = vector.shape_cast %broadcast_in_dim3A_152 : vector<16xf32> to vector<16xf32>
      tpu.vector_store %arg7[%swap3A_153], %swap3A_156 {strides = array<i32>} : memref<1584xf32, #tpu.memory_space<vmem>>, vector<16xf32>,
      %broadcast_in_dim3A_157 = arith.constant 0.000000e+00 : f32
      %broadcast_in_dim3A_158 = vector.broadcast %broadcast_in_dim3A_157 : f32 to vector<16xf32>
      %swap3A_159 = arith.constant 416 : index
      %swap3A_160 = tpu.vector_load %arg7[%swap3A_159] {strides = array<i32>} : memref<1584xf32, #tpu.memory_space<vmem>>, vector<16xf32>,
      %swap3A_161 = vector.shape_cast %swap3A_160 : vector<16xf32> to vector<16xf32>
      %swap3A_162 = vector.shape_cast %broadcast_in_dim3A_158 : vector<16xf32> to vector<16xf32>
      tpu.vector_store %arg7[%swap3A_159], %swap3A_162 {strides = array<i32>} : memref<1584xf32, #tpu.memory_space<vmem>>, vector<16xf32>,
      %broadcast_in_dim3A_163 = arith.constant 0.000000e+00 : f32
      %broadcast_in_dim3A_164 = vector.broadcast %broadcast_in_dim3A_163 : f32 to vector<16xf32>
      %swap3A_165 = arith.constant 432 : index
      %swap3A_166 = tpu.vector_load %arg7[%swap3A_165] {strides = array<i32>} : memref<1584xf32, #tpu.memory_space<vmem>>, vector<16xf32>,
      %swap3A_167 = vector.shape_cast %swap3A_166 : vector<16xf32> to vector<16xf32>
      %swap3A_168 = vector.shape_cast %broadcast_in_dim3A_164 : vector<16xf32> to vector<16xf32>
      tpu.vector_store %arg7[%swap3A_165], %swap3A_168 {strides = array<i32>} : memref<1584xf32, #tpu.memory_space<vmem>>, vector<16xf32>,
      %broadcast_in_dim3A_169 = arith.constant 0.000000e+00 : f32
      %broadcast_in_dim3A_170 = vector.broadcast %broadcast_in_dim3A_169 : f32 to vector<16xf32>
      %swap3A_171 = arith.constant 448 : index
      %swap3A_172 = tpu.vector_load %arg7[%swap3A_171] {strides = array<i32>} : memref<1584xf32, #tpu.memory_space<vmem>>, vector<16xf32>,
      %swap3A_173 = vector.shape_cast %swap3A_172 : vector<16xf32> to vector<16xf32>
      %swap3A_174 = vector.shape_cast %broadcast_in_dim3A_170 : vector<16xf32> to vector<16xf32>
      tpu.vector_store %arg7[%swap3A_171], %swap3A_174 {strides = array<i32>} : memref<1584xf32, #tpu.memory_space<vmem>>, vector<16xf32>,
      %broadcast_in_dim3A_175 = arith.constant 0.000000e+00 : f32
      %broadcast_in_dim3A_176 = vector.broadcast %broadcast_in_dim3A_175 : f32 to vector<16xf32>
      %swap3A_177 = arith.constant 464 : index
      %swap3A_178 = tpu.vector_load %arg7[%swap3A_177] {strides = array<i32>} : memref<1584xf32, #tpu.memory_space<vmem>>, vector<16xf32>,
      %swap3A_179 = vector.shape_cast %swap3A_178 : vector<16xf32> to vector<16xf32>
      %swap3A_180 = vector.shape_cast %broadcast_in_dim3A_176 : vector<16xf32> to vector<16xf32>
      tpu.vector_store %arg7[%swap3A_177], %swap3A_180 {strides = array<i32>} : memref<1584xf32, #tpu.memory_space<vmem>>, vector<16xf32>,
      %broadcast_in_dim3A_181 = arith.constant 0.000000e+00 : f32
      %broadcast_in_dim3A_182 = vector.broadcast %broadcast_in_dim3A_181 : f32 to vector<16xf32>
      %swap3A_183 = arith.constant 480 : index
      %swap3A_184 = tpu.vector_load %arg7[%swap3A_183] {strides = array<i32>} : memref<1584xf32, #tpu.memory_space<vmem>>, vector<16xf32>,
      %swap3A_185 = vector.shape_cast %swap3A_184 : vector<16xf32> to vector<16xf32>
      %swap3A_186 = vector.shape_cast %broadcast_in_dim3A_182 : vector<16xf32> to vector<16xf32>
      tpu.vector_store %arg7[%swap3A_183], %swap3A_186 {strides = array<i32>} : memref<1584xf32, #tpu.memory_space<vmem>>, vector<16xf32>,
      %broadcast_in_dim3A_187 = arith.constant 0.000000e+00 : f32
      %broadcast_in_dim3A_188 = vector.broadcast %broadcast_in_dim3A_187 : f32 to vector<16xf32>
      %swap3A_189 = arith.constant 496 : index
      %swap3A_190 = tpu.vector_load %arg7[%swap3A_189] {strides = array<i32>} : memref<1584xf32, #tpu.memory_space<vmem>>, vector<16xf32>,
      %swap3A_191 = vector.shape_cast %swap3A_190 : vector<16xf32> to vector<16xf32>
      %swap3A_192 = vector.shape_cast %broadcast_in_dim3A_188 : vector<16xf32> to vector<16xf32>
      tpu.vector_store %arg7[%swap3A_189], %swap3A_192 {strides = array<i32>} : memref<1584xf32, #tpu.memory_space<vmem>>, vector<16xf32>,
      %broadcast_in_dim3A_193 = arith.constant 0.000000e+00 : f32
      %broadcast_in_dim3A_194 = vector.broadcast %broadcast_in_dim3A_193 : f32 to vector<16xf32>
      %swap3A_195 = arith.constant 512 : index
      %swap3A_196 = tpu.vector_load %arg7[%swap3A_195] {strides = array<i32>} : memref<1584xf32, #tpu.memory_space<vmem>>, vector<16xf32>,
      %swap3A_197 = vector.shape_cast %swap3A_196 : vector<16xf32> to vector<16xf32>
      %swap3A_198 = vector.shape_cast %broadcast_in_dim3A_194 : vector<16xf32> to vector<16xf32>
      tpu.vector_store %arg7[%swap3A_195], %swap3A_198 {strides = array<i32>} : memref<1584xf32, #tpu.memory_space<vmem>>, vector<16xf32>,
      %broadcast_in_dim3A_199 = arith.constant 0.000000e+00 : f32
      %broadcast_in_dim3A_200 = vector.broadcast %broadcast_in_dim3A_199 : f32 to vector<16xf32>
      %swap3A_201 = arith.constant 528 : index
      %swap3A_202 = tpu.vector_load %arg7[%swap3A_201] {strides = array<i32>} : memref<1584xf32, #tpu.memory_space<vmem>>, vector<16xf32>,
      %swap3A_203 = vector.shape_cast %swap3A_202 : vector<16xf32> to vector<16xf32>
      %swap3A_204 = vector.shape_cast %broadcast_in_dim3A_200 : vector<16xf32> to vector<16xf32>
      tpu.vector_store %arg7[%swap3A_201], %swap3A_204 {strides = array<i32>} : memref<1584xf32, #tpu.memory_space<vmem>>, vector<16xf32>,
      %broadcast_in_dim3A_205 = arith.constant 0.000000e+00 : f32
      %broadcast_in_dim3A_206 = vector.broadcast %broadcast_in_dim3A_205 : f32 to vector<16xf32>
      %swap3A_207 = arith.constant 544 : index
      %swap3A_208 = tpu.vector_load %arg7[%swap3A_207] {strides = array<i32>} : memref<1584xf32, #tpu.memory_space<vmem>>, vector<16xf32>,
      %swap3A_209 = vector.shape_cast %swap3A_208 : vector<16xf32> to vector<16xf32>
      %swap3A_210 = vector.shape_cast %broadcast_in_dim3A_206 : vector<16xf32> to vector<16xf32>
      tpu.vector_store %arg7[%swap3A_207], %swap3A_210 {strides = array<i32>} : memref<1584xf32, #tpu.memory_space<vmem>>, vector<16xf32>,
      %broadcast_in_dim3A_211 = arith.constant 0.000000e+00 : f32
      %broadcast_in_dim3A_212 = vector.broadcast %broadcast_in_dim3A_211 : f32 to vector<16xf32>
      %swap3A_213 = arith.constant 560 : index
      %swap3A_214 = tpu.vector_load %arg7[%swap3A_213] {strides = array<i32>} : memref<1584xf32, #tpu.memory_space<vmem>>, vector<16xf32>,
      %swap3A_215 = vector.shape_cast %swap3A_214 : vector<16xf32> to vector<16xf32>
      %swap3A_216 = vector.shape_cast %broadcast_in_dim3A_212 : vector<16xf32> to vector<16xf32>
      tpu.vector_store %arg7[%swap3A_213], %swap3A_216 {strides = array<i32>} : memref<1584xf32, #tpu.memory_space<vmem>>, vector<16xf32>,
      %broadcast_in_dim3A_217 = arith.constant 0.000000e+00 : f32
      %broadcast_in_dim3A_218 = vector.broadcast %broadcast_in_dim3A_217 : f32 to vector<16xf32>
      %swap3A_219 = arith.constant 576 : index
      %swap3A_220 = tpu.vector_load %arg7[%swap3A_219] {strides = array<i32>} : memref<1584xf32, #tpu.memory_space<vmem>>, vector<16xf32>,
      %swap3A_221 = vector.shape_cast %swap3A_220 : vector<16xf32> to vector<16xf32>
      %swap3A_222 = vector.shape_cast %broadcast_in_dim3A_218 : vector<16xf32> to vector<16xf32>
      tpu.vector_store %arg7[%swap3A_219], %swap3A_222 {strides = array<i32>} : memref<1584xf32, #tpu.memory_space<vmem>>, vector<16xf32>,
      %broadcast_in_dim3A_223 = arith.constant 0.000000e+00 : f32
      %broadcast_in_dim3A_224 = vector.broadcast %broadcast_in_dim3A_223 : f32 to vector<16xf32>
      %swap3A_225 = arith.constant 592 : index
      %swap3A_226 = tpu.vector_load %arg7[%swap3A_225] {strides = array<i32>} : memref<1584xf32, #tpu.memory_space<vmem>>, vector<16xf32>,
      %swap3A_227 = vector.shape_cast %swap3A_226 : vector<16xf32> to vector<16xf32>
      %swap3A_228 = vector.shape_cast %broadcast_in_dim3A_224 : vector<16xf32> to vector<16xf32>
      tpu.vector_store %arg7[%swap3A_225], %swap3A_228 {strides = array<i32>} : memref<1584xf32, #tpu.memory_space<vmem>>, vector<16xf32>,
      %broadcast_in_dim3A_229 = arith.constant 0.000000e+00 : f32
      %broadcast_in_dim3A_230 = vector.broadcast %broadcast_in_dim3A_229 : f32 to vector<16xf32>
      %swap3A_231 = arith.constant 608 : index
      %swap3A_232 = tpu.vector_load %arg7[%swap3A_231] {strides = array<i32>} : memref<1584xf32, #tpu.memory_space<vmem>>, vector<16xf32>,
      %swap3A_233 = vector.shape_cast %swap3A_232 : vector<16xf32> to vector<16xf32>
      %swap3A_234 = vector.shape_cast %broadcast_in_dim3A_230 : vector<16xf32> to vector<16xf32>
      tpu.vector_store %arg7[%swap3A_231], %swap3A_234 {strides = array<i32>} : memref<1584xf32, #tpu.memory_space<vmem>>, vector<16xf32>,
      %broadcast_in_dim3A_235 = arith.constant 0.000000e+00 : f32
      %broadcast_in_dim3A_236 = vector.broadcast %broadcast_in_dim3A_235 : f32 to vector<16xf32>
      %swap3A_237 = arith.constant 624 : index
      %swap3A_238 = tpu.vector_load %arg7[%swap3A_237] {strides = array<i32>} : memref<1584xf32, #tpu.memory_space<vmem>>, vector<16xf32>,
      %swap3A_239 = vector.shape_cast %swap3A_238 : vector<16xf32> to vector<16xf32>
      %swap3A_240 = vector.shape_cast %broadcast_in_dim3A_236 : vector<16xf32> to vector<16xf32>
      tpu.vector_store %arg7[%swap3A_237], %swap3A_240 {strides = array<i32>} : memref<1584xf32, #tpu.memory_space<vmem>>, vector<16xf32>,
      %broadcast_in_dim3A_241 = arith.constant 0.000000e+00 : f32
      %broadcast_in_dim3A_242 = vector.broadcast %broadcast_in_dim3A_241 : f32 to vector<16xf32>
      %swap3A_243 = arith.constant 640 : index
      %swap3A_244 = tpu.vector_load %arg7[%swap3A_243] {strides = array<i32>} : memref<1584xf32, #tpu.memory_space<vmem>>, vector<16xf32>,
      %swap3A_245 = vector.shape_cast %swap3A_244 : vector<16xf32> to vector<16xf32>
      %swap3A_246 = vector.shape_cast %broadcast_in_dim3A_242 : vector<16xf32> to vector<16xf32>
      tpu.vector_store %arg7[%swap3A_243], %swap3A_246 {strides = array<i32>} : memref<1584xf32, #tpu.memory_space<vmem>>, vector<16xf32>,
      %broadcast_in_dim3A_247 = arith.constant 0.000000e+00 : f32
      %broadcast_in_dim3A_248 = vector.broadcast %broadcast_in_dim3A_247 : f32 to vector<16xf32>
      %swap3A_249 = arith.constant 656 : index
      %swap3A_250 = tpu.vector_load %arg7[%swap3A_249] {strides = array<i32>} : memref<1584xf32, #tpu.memory_space<vmem>>, vector<16xf32>,
      %swap3A_251 = vector.shape_cast %swap3A_250 : vector<16xf32> to vector<16xf32>
      %swap3A_252 = vector.shape_cast %broadcast_in_dim3A_248 : vector<16xf32> to vector<16xf32>
      tpu.vector_store %arg7[%swap3A_249], %swap3A_252 {strides = array<i32>} : memref<1584xf32, #tpu.memory_space<vmem>>, vector<16xf32>,
      %broadcast_in_dim3A_253 = arith.constant 0.000000e+00 : f32
      %broadcast_in_dim3A_254 = vector.broadcast %broadcast_in_dim3A_253 : f32 to vector<16xf32>
      %swap3A_255 = arith.constant 672 : index
      %swap3A_256 = tpu.vector_load %arg7[%swap3A_255] {strides = array<i32>} : memref<1584xf32, #tpu.memory_space<vmem>>, vector<16xf32>,
      %swap3A_257 = vector.shape_cast %swap3A_256 : vector<16xf32> to vector<16xf32>
      %swap3A_258 = vector.shape_cast %broadcast_in_dim3A_254 : vector<16xf32> to vector<16xf32>
      tpu.vector_store %arg7[%swap3A_255], %swap3A_258 {strides = array<i32>} : memref<1584xf32, #tpu.memory_space<vmem>>, vector<16xf32>,
      %broadcast_in_dim3A_259 = arith.constant 0.000000e+00 : f32
      %broadcast_in_dim3A_260 = vector.broadcast %broadcast_in_dim3A_259 : f32 to vector<16xf32>
      %swap3A_261 = arith.constant 688 : index
      %swap3A_262 = tpu.vector_load %arg7[%swap3A_261] {strides = array<i32>} : memref<1584xf32, #tpu.memory_space<vmem>>, vector<16xf32>,
      %swap3A_263 = vector.shape_cast %swap3A_262 : vector<16xf32> to vector<16xf32>
      %swap3A_264 = vector.shape_cast %broadcast_in_dim3A_260 : vector<16xf32> to vector<16xf32>
      tpu.vector_store %arg7[%swap3A_261], %swap3A_264 {strides = array<i32>} : memref<1584xf32, #tpu.memory_space<vmem>>, vector<16xf32>,
      %broadcast_in_dim3A_265 = arith.constant 0.000000e+00 : f32
      %broadcast_in_dim3A_266 = vector.broadcast %broadcast_in_dim3A_265 : f32 to vector<16xf32>
      %swap3A_267 = arith.constant 704 : index
      %swap3A_268 = tpu.vector_load %arg7[%swap3A_267] {strides = array<i32>} : memref<1584xf32, #tpu.memory_space<vmem>>, vector<16xf32>,
      %swap3A_269 = vector.shape_cast %swap3A_268 : vector<16xf32> to vector<16xf32>
      %swap3A_270 = vector.shape_cast %broadcast_in_dim3A_266 : vector<16xf32> to vector<16xf32>
      tpu.vector_store %arg7[%swap3A_267], %swap3A_270 {strides = array<i32>} : memref<1584xf32, #tpu.memory_space<vmem>>, vector<16xf32>,
      %broadcast_in_dim3A_271 = arith.constant 0.000000e+00 : f32
      %broadcast_in_dim3A_272 = vector.broadcast %broadcast_in_dim3A_271 : f32 to vector<16xf32>
      %swap3A_273 = arith.constant 720 : index
      %swap3A_274 = tpu.vector_load %arg7[%swap3A_273] {strides = array<i32>} : memref<1584xf32, #tpu.memory_space<vmem>>, vector<16xf32>,
      %swap3A_275 = vector.shape_cast %swap3A_274 : vector<16xf32> to vector<16xf32>
      %swap3A_276 = vector.shape_cast %broadcast_in_dim3A_272 : vector<16xf32> to vector<16xf32>
      tpu.vector_store %arg7[%swap3A_273], %swap3A_276 {strides = array<i32>} : memref<1584xf32, #tpu.memory_space<vmem>>, vector<16xf32>,
      %broadcast_in_dim3A_277 = arith.constant 0.000000e+00 : f32
      %broadcast_in_dim3A_278 = vector.broadcast %broadcast_in_dim3A_277 : f32 to vector<16xf32>
      %swap3A_279 = arith.constant 736 : index
      %swap3A_280 = tpu.vector_load %arg7[%swap3A_279] {strides = array<i32>} : memref<1584xf32, #tpu.memory_space<vmem>>, vector<16xf32>,
      %swap3A_281 = vector.shape_cast %swap3A_280 : vector<16xf32> to vector<16xf32>
      %swap3A_282 = vector.shape_cast %broadcast_in_dim3A_278 : vector<16xf32> to vector<16xf32>
      tpu.vector_store %arg7[%swap3A_279], %swap3A_282 {strides = array<i32>} : memref<1584xf32, #tpu.memory_space<vmem>>, vector<16xf32>,
      %broadcast_in_dim3A_283 = arith.constant 0.000000e+00 : f32
      %broadcast_in_dim3A_284 = vector.broadcast %broadcast_in_dim3A_283 : f32 to vector<16xf32>
      %swap3A_285 = arith.constant 752 : index
      %swap3A_286 = tpu.vector_load %arg7[%swap3A_285] {strides = array<i32>} : memref<1584xf32, #tpu.memory_space<vmem>>, vector<16xf32>,
      %swap3A_287 = vector.shape_cast %swap3A_286 : vector<16xf32> to vector<16xf32>
      %swap3A_288 = vector.shape_cast %broadcast_in_dim3A_284 : vector<16xf32> to vector<16xf32>
      tpu.vector_store %arg7[%swap3A_285], %swap3A_288 {strides = array<i32>} : memref<1584xf32, #tpu.memory_space<vmem>>, vector<16xf32>,
      %broadcast_in_dim3A_289 = arith.constant 0.000000e+00 : f32
      %broadcast_in_dim3A_290 = vector.broadcast %broadcast_in_dim3A_289 : f32 to vector<16xf32>
      %swap3A_291 = arith.constant 768 : index
      %swap3A_292 = tpu.vector_load %arg7[%swap3A_291] {strides = array<i32>} : memref<1584xf32, #tpu.memory_space<vmem>>, vector<16xf32>,
      %swap3A_293 = vector.shape_cast %swap3A_292 : vector<16xf32> to vector<16xf32>
      %swap3A_294 = vector.shape_cast %broadcast_in_dim3A_290 : vector<16xf32> to vector<16xf32>
      tpu.vector_store %arg7[%swap3A_291], %swap3A_294 {strides = array<i32>} : memref<1584xf32, #tpu.memory_space<vmem>>, vector<16xf32>,
      %broadcast_in_dim3A_295 = arith.constant 0.000000e+00 : f32
      %broadcast_in_dim3A_296 = vector.broadcast %broadcast_in_dim3A_295 : f32 to vector<16xf32>
      %swap3A_297 = arith.constant 784 : index
      %swap3A_298 = tpu.vector_load %arg7[%swap3A_297] {strides = array<i32>} : memref<1584xf32, #tpu.memory_space<vmem>>, vector<16xf32>,
      %swap3A_299 = vector.shape_cast %swap3A_298 : vector<16xf32> to vector<16xf32>
      %swap3A_300 = vector.shape_cast %broadcast_in_dim3A_296 : vector<16xf32> to vector<16xf32>
      tpu.vector_store %arg7[%swap3A_297], %swap3A_300 {strides = array<i32>} : memref<1584xf32, #tpu.memory_space<vmem>>, vector<16xf32>,
      %broadcast_in_dim3A_301 = arith.constant 0.000000e+00 : f32
      %broadcast_in_dim3A_302 = vector.broadcast %broadcast_in_dim3A_301 : f32 to vector<16xf32>
      %swap3A_303 = arith.constant 800 : index
      %swap3A_304 = tpu.vector_load %arg7[%swap3A_303] {strides = array<i32>} : memref<1584xf32, #tpu.memory_space<vmem>>, vector<16xf32>,
      %swap3A_305 = vector.shape_cast %swap3A_304 : vector<16xf32> to vector<16xf32>
      %swap3A_306 = vector.shape_cast %broadcast_in_dim3A_302 : vector<16xf32> to vector<16xf32>
      tpu.vector_store %arg7[%swap3A_303], %swap3A_306 {strides = array<i32>} : memref<1584xf32, #tpu.memory_space<vmem>>, vector<16xf32>,
      %broadcast_in_dim3A_307 = arith.constant 0.000000e+00 : f32
      %broadcast_in_dim3A_308 = vector.broadcast %broadcast_in_dim3A_307 : f32 to vector<16xf32>
      %swap3A_309 = arith.constant 816 : index
      %swap3A_310 = tpu.vector_load %arg7[%swap3A_309] {strides = array<i32>} : memref<1584xf32, #tpu.memory_space<vmem>>, vector<16xf32>,
      %swap3A_311 = vector.shape_cast %swap3A_310 : vector<16xf32> to vector<16xf32>
      %swap3A_312 = vector.shape_cast %broadcast_in_dim3A_308 : vector<16xf32> to vector<16xf32>
      tpu.vector_store %arg7[%swap3A_309], %swap3A_312 {strides = array<i32>} : memref<1584xf32, #tpu.memory_space<vmem>>, vector<16xf32>,
      %broadcast_in_dim3A_313 = arith.constant 0.000000e+00 : f32
      %broadcast_in_dim3A_314 = vector.broadcast %broadcast_in_dim3A_313 : f32 to vector<16xf32>
      %swap3A_315 = arith.constant 832 : index
      %swap3A_316 = tpu.vector_load %arg7[%swap3A_315] {strides = array<i32>} : memref<1584xf32, #tpu.memory_space<vmem>>, vector<16xf32>,
      %swap3A_317 = vector.shape_cast %swap3A_316 : vector<16xf32> to vector<16xf32>
      %swap3A_318 = vector.shape_cast %broadcast_in_dim3A_314 : vector<16xf32> to vector<16xf32>
      tpu.vector_store %arg7[%swap3A_315], %swap3A_318 {strides = array<i32>} : memref<1584xf32, #tpu.memory_space<vmem>>, vector<16xf32>,
      %broadcast_in_dim3A_319 = arith.constant 0.000000e+00 : f32
      %broadcast_in_dim3A_320 = vector.broadcast %broadcast_in_dim3A_319 : f32 to vector<16xf32>
      %swap3A_321 = arith.constant 848 : index
      %swap3A_322 = tpu.vector_load %arg7[%swap3A_321] {strides = array<i32>} : memref<1584xf32, #tpu.memory_space<vmem>>, vector<16xf32>,
      %swap3A_323 = vector.shape_cast %swap3A_322 : vector<16xf32> to vector<16xf32>
      %swap3A_324 = vector.shape_cast %broadcast_in_dim3A_320 : vector<16xf32> to vector<16xf32>
      tpu.vector_store %arg7[%swap3A_321], %swap3A_324 {strides = array<i32>} : memref<1584xf32, #tpu.memory_space<vmem>>, vector<16xf32>,
      %broadcast_in_dim3A_325 = arith.constant 0.000000e+00 : f32
      %broadcast_in_dim3A_326 = vector.broadcast %broadcast_in_dim3A_325 : f32 to vector<16xf32>
      %swap3A_327 = arith.constant 864 : index
      %swap3A_328 = tpu.vector_load %arg7[%swap3A_327] {strides = array<i32>} : memref<1584xf32, #tpu.memory_space<vmem>>, vector<16xf32>,
      %swap3A_329 = vector.shape_cast %swap3A_328 : vector<16xf32> to vector<16xf32>
      %swap3A_330 = vector.shape_cast %broadcast_in_dim3A_326 : vector<16xf32> to vector<16xf32>
      tpu.vector_store %arg7[%swap3A_327], %swap3A_330 {strides = array<i32>} : memref<1584xf32, #tpu.memory_space<vmem>>, vector<16xf32>,
      %broadcast_in_dim3A_331 = arith.constant 0.000000e+00 : f32
      %broadcast_in_dim3A_332 = vector.broadcast %broadcast_in_dim3A_331 : f32 to vector<16xf32>
      %swap3A_333 = arith.constant 880 : index
      %swap3A_334 = tpu.vector_load %arg7[%swap3A_333] {strides = array<i32>} : memref<1584xf32, #tpu.memory_space<vmem>>, vector<16xf32>,
      %swap3A_335 = vector.shape_cast %swap3A_334 : vector<16xf32> to vector<16xf32>
      %swap3A_336 = vector.shape_cast %broadcast_in_dim3A_332 : vector<16xf32> to vector<16xf32>
      tpu.vector_store %arg7[%swap3A_333], %swap3A_336 {strides = array<i32>} : memref<1584xf32, #tpu.memory_space<vmem>>, vector<16xf32>,
      %broadcast_in_dim3A_337 = arith.constant 0.000000e+00 : f32
      %broadcast_in_dim3A_338 = vector.broadcast %broadcast_in_dim3A_337 : f32 to vector<16xf32>
      %swap3A_339 = arith.constant 896 : index
      %swap3A_340 = tpu.vector_load %arg7[%swap3A_339] {strides = array<i32>} : memref<1584xf32, #tpu.memory_space<vmem>>, vector<16xf32>,
      %swap3A_341 = vector.shape_cast %swap3A_340 : vector<16xf32> to vector<16xf32>
      %swap3A_342 = vector.shape_cast %broadcast_in_dim3A_338 : vector<16xf32> to vector<16xf32>
      tpu.vector_store %arg7[%swap3A_339], %swap3A_342 {strides = array<i32>} : memref<1584xf32, #tpu.memory_space<vmem>>, vector<16xf32>,
      %broadcast_in_dim3A_343 = arith.constant 0.000000e+00 : f32
      %broadcast_in_dim3A_344 = vector.broadcast %broadcast_in_dim3A_343 : f32 to vector<16xf32>
      %swap3A_345 = arith.constant 912 : index
      %swap3A_346 = tpu.vector_load %arg7[%swap3A_345] {strides = array<i32>} : memref<1584xf32, #tpu.memory_space<vmem>>, vector<16xf32>,
      %swap3A_347 = vector.shape_cast %swap3A_346 : vector<16xf32> to vector<16xf32>
      %swap3A_348 = vector.shape_cast %broadcast_in_dim3A_344 : vector<16xf32> to vector<16xf32>
      tpu.vector_store %arg7[%swap3A_345], %swap3A_348 {strides = array<i32>} : memref<1584xf32, #tpu.memory_space<vmem>>, vector<16xf32>,
      %broadcast_in_dim3A_349 = arith.constant 0.000000e+00 : f32
      %broadcast_in_dim3A_350 = vector.broadcast %broadcast_in_dim3A_349 : f32 to vector<16xf32>
      %swap3A_351 = arith.constant 928 : index
      %swap3A_352 = tpu.vector_load %arg7[%swap3A_351] {strides = array<i32>} : memref<1584xf32, #tpu.memory_space<vmem>>, vector<16xf32>,
      %swap3A_353 = vector.shape_cast %swap3A_352 : vector<16xf32> to vector<16xf32>
      %swap3A_354 = vector.shape_cast %broadcast_in_dim3A_350 : vector<16xf32> to vector<16xf32>
      tpu.vector_store %arg7[%swap3A_351], %swap3A_354 {strides = array<i32>} : memref<1584xf32, #tpu.memory_space<vmem>>, vector<16xf32>,
      %broadcast_in_dim3A_355 = arith.constant 0.000000e+00 : f32
      %broadcast_in_dim3A_356 = vector.broadcast %broadcast_in_dim3A_355 : f32 to vector<16xf32>
      %swap3A_357 = arith.constant 944 : index
      %swap3A_358 = tpu.vector_load %arg7[%swap3A_357] {strides = array<i32>} : memref<1584xf32, #tpu.memory_space<vmem>>, vector<16xf32>,
      %swap3A_359 = vector.shape_cast %swap3A_358 : vector<16xf32> to vector<16xf32>
      %swap3A_360 = vector.shape_cast %broadcast_in_dim3A_356 : vector<16xf32> to vector<16xf32>
      tpu.vector_store %arg7[%swap3A_357], %swap3A_360 {strides = array<i32>} : memref<1584xf32, #tpu.memory_space<vmem>>, vector<16xf32>,
      %broadcast_in_dim3A_361 = arith.constant 0.000000e+00 : f32
      %broadcast_in_dim3A_362 = vector.broadcast %broadcast_in_dim3A_361 : f32 to vector<16xf32>
      %swap3A_363 = arith.constant 960 : index
      %swap3A_364 = tpu.vector_load %arg7[%swap3A_363] {strides = array<i32>} : memref<1584xf32, #tpu.memory_space<vmem>>, vector<16xf32>,
      %swap3A_365 = vector.shape_cast %swap3A_364 : vector<16xf32> to vector<16xf32>
      %swap3A_366 = vector.shape_cast %broadcast_in_dim3A_362 : vector<16xf32> to vector<16xf32>
      tpu.vector_store %arg7[%swap3A_363], %swap3A_366 {strides = array<i32>} : memref<1584xf32, #tpu.memory_space<vmem>>, vector<16xf32>,
      %broadcast_in_dim3A_367 = arith.constant 0.000000e+00 : f32
      %broadcast_in_dim3A_368 = vector.broadcast %broadcast_in_dim3A_367 : f32 to vector<16xf32>
      %swap3A_369 = arith.constant 976 : index
      %swap3A_370 = tpu.vector_load %arg7[%swap3A_369] {strides = array<i32>} : memref<1584xf32, #tpu.memory_space<vmem>>, vector<16xf32>,
      %swap3A_371 = vector.shape_cast %swap3A_370 : vector<16xf32> to vector<16xf32>
      %swap3A_372 = vector.shape_cast %broadcast_in_dim3A_368 : vector<16xf32> to vector<16xf32>
      tpu.vector_store %arg7[%swap3A_369], %swap3A_372 {strides = array<i32>} : memref<1584xf32, #tpu.memory_space<vmem>>, vector<16xf32>,
      %broadcast_in_dim3A_373 = arith.constant 0.000000e+00 : f32
      %broadcast_in_dim3A_374 = vector.broadcast %broadcast_in_dim3A_373 : f32 to vector<16xf32>
      %swap3A_375 = arith.constant 992 : index
      %swap3A_376 = tpu.vector_load %arg7[%swap3A_375] {strides = array<i32>} : memref<1584xf32, #tpu.memory_space<vmem>>, vector<16xf32>,
      %swap3A_377 = vector.shape_cast %swap3A_376 : vector<16xf32> to vector<16xf32>
      %swap3A_378 = vector.shape_cast %broadcast_in_dim3A_374 : vector<16xf32> to vector<16xf32>
      tpu.vector_store %arg7[%swap3A_375], %swap3A_378 {strides = array<i32>} : memref<1584xf32, #tpu.memory_space<vmem>>, vector<16xf32>,
      %broadcast_in_dim3A_379 = arith.constant 0.000000e+00 : f32
      %broadcast_in_dim3A_380 = vector.broadcast %broadcast_in_dim3A_379 : f32 to vector<16xf32>
      %swap3A_381 = arith.constant 1008 : index
      %swap3A_382 = tpu.vector_load %arg7[%swap3A_381] {strides = array<i32>} : memref<1584xf32, #tpu.memory_space<vmem>>, vector<16xf32>,
      %swap3A_383 = vector.shape_cast %swap3A_382 : vector<16xf32> to vector<16xf32>
      %swap3A_384 = vector.shape_cast %broadcast_in_dim3A_380 : vector<16xf32> to vector<16xf32>
      tpu.vector_store %arg7[%swap3A_381], %swap3A_384 {strides = array<i32>} : memref<1584xf32, #tpu.memory_space<vmem>>, vector<16xf32>,
      %broadcast_in_dim3A_385 = arith.constant 0.000000e+00 : f32
      %broadcast_in_dim3A_386 = vector.broadcast %broadcast_in_dim3A_385 : f32 to vector<16xf32>
      %swap3A_387 = arith.constant 1024 : index
      %swap3A_388 = tpu.vector_load %arg7[%swap3A_387] {strides = array<i32>} : memref<1584xf32, #tpu.memory_space<vmem>>, vector<16xf32>,
      %swap3A_389 = vector.shape_cast %swap3A_388 : vector<16xf32> to vector<16xf32>
      %swap3A_390 = vector.shape_cast %broadcast_in_dim3A_386 : vector<16xf32> to vector<16xf32>
      tpu.vector_store %arg7[%swap3A_387], %swap3A_390 {strides = array<i32>} : memref<1584xf32, #tpu.memory_space<vmem>>, vector<16xf32>,
      %broadcast_in_dim3A_391 = arith.constant 0.000000e+00 : f32
      %broadcast_in_dim3A_392 = vector.broadcast %broadcast_in_dim3A_391 : f32 to vector<16xf32>
      %swap3A_393 = arith.constant 1040 : index
      %swap3A_394 = tpu.vector_load %arg7[%swap3A_393] {strides = array<i32>} : memref<1584xf32, #tpu.memory_space<vmem>>, vector<16xf32>,
      %swap3A_395 = vector.shape_cast %swap3A_394 : vector<16xf32> to vector<16xf32>
      %swap3A_396 = vector.shape_cast %broadcast_in_dim3A_392 : vector<16xf32> to vector<16xf32>
      tpu.vector_store %arg7[%swap3A_393], %swap3A_396 {strides = array<i32>} : memref<1584xf32, #tpu.memory_space<vmem>>, vector<16xf32>,
      %broadcast_in_dim3A_397 = arith.constant 0.000000e+00 : f32
      %broadcast_in_dim3A_398 = vector.broadcast %broadcast_in_dim3A_397 : f32 to vector<16xf32>
      %swap3A_399 = arith.constant 1056 : index
      %swap3A_400 = tpu.vector_load %arg7[%swap3A_399] {strides = array<i32>} : memref<1584xf32, #tpu.memory_space<vmem>>, vector<16xf32>,
      %swap3A_401 = vector.shape_cast %swap3A_400 : vector<16xf32> to vector<16xf32>
      %swap3A_402 = vector.shape_cast %broadcast_in_dim3A_398 : vector<16xf32> to vector<16xf32>
      tpu.vector_store %arg7[%swap3A_399], %swap3A_402 {strides = array<i32>} : memref<1584xf32, #tpu.memory_space<vmem>>, vector<16xf32>,
      %broadcast_in_dim3A_403 = arith.constant 0.000000e+00 : f32
      %broadcast_in_dim3A_404 = vector.broadcast %broadcast_in_dim3A_403 : f32 to vector<16xf32>
      %swap3A_405 = arith.constant 1072 : index
      %swap3A_406 = tpu.vector_load %arg7[%swap3A_405] {strides = array<i32>} : memref<1584xf32, #tpu.memory_space<vmem>>, vector<16xf32>,
      %swap3A_407 = vector.shape_cast %swap3A_406 : vector<16xf32> to vector<16xf32>
      %swap3A_408 = vector.shape_cast %broadcast_in_dim3A_404 : vector<16xf32> to vector<16xf32>
      tpu.vector_store %arg7[%swap3A_405], %swap3A_408 {strides = array<i32>} : memref<1584xf32, #tpu.memory_space<vmem>>, vector<16xf32>,
      %broadcast_in_dim3A_409 = arith.constant 0.000000e+00 : f32
      %broadcast_in_dim3A_410 = vector.broadcast %broadcast_in_dim3A_409 : f32 to vector<16xf32>
      %swap3A_411 = arith.constant 1088 : index
      %swap3A_412 = tpu.vector_load %arg7[%swap3A_411] {strides = array<i32>} : memref<1584xf32, #tpu.memory_space<vmem>>, vector<16xf32>,
      %swap3A_413 = vector.shape_cast %swap3A_412 : vector<16xf32> to vector<16xf32>
      %swap3A_414 = vector.shape_cast %broadcast_in_dim3A_410 : vector<16xf32> to vector<16xf32>
      tpu.vector_store %arg7[%swap3A_411], %swap3A_414 {strides = array<i32>} : memref<1584xf32, #tpu.memory_space<vmem>>, vector<16xf32>,
      %broadcast_in_dim3A_415 = arith.constant 0.000000e+00 : f32
      %broadcast_in_dim3A_416 = vector.broadcast %broadcast_in_dim3A_415 : f32 to vector<16xf32>
      %swap3A_417 = arith.constant 1104 : index
      %swap3A_418 = tpu.vector_load %arg7[%swap3A_417] {strides = array<i32>} : memref<1584xf32, #tpu.memory_space<vmem>>, vector<16xf32>,
      %swap3A_419 = vector.shape_cast %swap3A_418 : vector<16xf32> to vector<16xf32>
      %swap3A_420 = vector.shape_cast %broadcast_in_dim3A_416 : vector<16xf32> to vector<16xf32>
      tpu.vector_store %arg7[%swap3A_417], %swap3A_420 {strides = array<i32>} : memref<1584xf32, #tpu.memory_space<vmem>>, vector<16xf32>,
      %broadcast_in_dim3A_421 = arith.constant 0.000000e+00 : f32
      %broadcast_in_dim3A_422 = vector.broadcast %broadcast_in_dim3A_421 : f32 to vector<16xf32>
      %swap3A_423 = arith.constant 1120 : index
      %swap3A_424 = tpu.vector_load %arg7[%swap3A_423] {strides = array<i32>} : memref<1584xf32, #tpu.memory_space<vmem>>, vector<16xf32>,
      %swap3A_425 = vector.shape_cast %swap3A_424 : vector<16xf32> to vector<16xf32>
      %swap3A_426 = vector.shape_cast %broadcast_in_dim3A_422 : vector<16xf32> to vector<16xf32>
      tpu.vector_store %arg7[%swap3A_423], %swap3A_426 {strides = array<i32>} : memref<1584xf32, #tpu.memory_space<vmem>>, vector<16xf32>,
      %broadcast_in_dim3A_427 = arith.constant 0.000000e+00 : f32
      %broadcast_in_dim3A_428 = vector.broadcast %broadcast_in_dim3A_427 : f32 to vector<16xf32>
      %swap3A_429 = arith.constant 1136 : index
      %swap3A_430 = tpu.vector_load %arg7[%swap3A_429] {strides = array<i32>} : memref<1584xf32, #tpu.memory_space<vmem>>, vector<16xf32>,
      %swap3A_431 = vector.shape_cast %swap3A_430 : vector<16xf32> to vector<16xf32>
      %swap3A_432 = vector.shape_cast %broadcast_in_dim3A_428 : vector<16xf32> to vector<16xf32>
      tpu.vector_store %arg7[%swap3A_429], %swap3A_432 {strides = array<i32>} : memref<1584xf32, #tpu.memory_space<vmem>>, vector<16xf32>,
      %broadcast_in_dim3A_433 = arith.constant 0.000000e+00 : f32
      %broadcast_in_dim3A_434 = vector.broadcast %broadcast_in_dim3A_433 : f32 to vector<16xf32>
      %swap3A_435 = arith.constant 1152 : index
      %swap3A_436 = tpu.vector_load %arg7[%swap3A_435] {strides = array<i32>} : memref<1584xf32, #tpu.memory_space<vmem>>, vector<16xf32>,
      %swap3A_437 = vector.shape_cast %swap3A_436 : vector<16xf32> to vector<16xf32>
      %swap3A_438 = vector.shape_cast %broadcast_in_dim3A_434 : vector<16xf32> to vector<16xf32>
      tpu.vector_store %arg7[%swap3A_435], %swap3A_438 {strides = array<i32>} : memref<1584xf32, #tpu.memory_space<vmem>>, vector<16xf32>,
      %broadcast_in_dim3A_439 = arith.constant 0.000000e+00 : f32
      %broadcast_in_dim3A_440 = vector.broadcast %broadcast_in_dim3A_439 : f32 to vector<16xf32>
      %swap3A_441 = arith.constant 1168 : index
      %swap3A_442 = tpu.vector_load %arg7[%swap3A_441] {strides = array<i32>} : memref<1584xf32, #tpu.memory_space<vmem>>, vector<16xf32>,
      %swap3A_443 = vector.shape_cast %swap3A_442 : vector<16xf32> to vector<16xf32>
      %swap3A_444 = vector.shape_cast %broadcast_in_dim3A_440 : vector<16xf32> to vector<16xf32>
      tpu.vector_store %arg7[%swap3A_441], %swap3A_444 {strides = array<i32>} : memref<1584xf32, #tpu.memory_space<vmem>>, vector<16xf32>,
      %broadcast_in_dim3A_445 = arith.constant 0.000000e+00 : f32
      %broadcast_in_dim3A_446 = vector.broadcast %broadcast_in_dim3A_445 : f32 to vector<16xf32>
      %swap3A_447 = arith.constant 1184 : index
      %swap3A_448 = tpu.vector_load %arg7[%swap3A_447] {strides = array<i32>} : memref<1584xf32, #tpu.memory_space<vmem>>, vector<16xf32>,
      %swap3A_449 = vector.shape_cast %swap3A_448 : vector<16xf32> to vector<16xf32>
      %swap3A_450 = vector.shape_cast %broadcast_in_dim3A_446 : vector<16xf32> to vector<16xf32>
      tpu.vector_store %arg7[%swap3A_447], %swap3A_450 {strides = array<i32>} : memref<1584xf32, #tpu.memory_space<vmem>>, vector<16xf32>,
      %broadcast_in_dim3A_451 = arith.constant 0.000000e+00 : f32
      %broadcast_in_dim3A_452 = vector.broadcast %broadcast_in_dim3A_451 : f32 to vector<16xf32>
      %swap3A_453 = arith.constant 1200 : index
      %swap3A_454 = tpu.vector_load %arg7[%swap3A_453] {strides = array<i32>} : memref<1584xf32, #tpu.memory_space<vmem>>, vector<16xf32>,
      %swap3A_455 = vector.shape_cast %swap3A_454 : vector<16xf32> to vector<16xf32>
      %swap3A_456 = vector.shape_cast %broadcast_in_dim3A_452 : vector<16xf32> to vector<16xf32>
      tpu.vector_store %arg7[%swap3A_453], %swap3A_456 {strides = array<i32>} : memref<1584xf32, #tpu.memory_space<vmem>>, vector<16xf32>,
      %broadcast_in_dim3A_457 = arith.constant 0.000000e+00 : f32
      %broadcast_in_dim3A_458 = vector.broadcast %broadcast_in_dim3A_457 : f32 to vector<16xf32>
      %swap3A_459 = arith.constant 1216 : index
      %swap3A_460 = tpu.vector_load %arg7[%swap3A_459] {strides = array<i32>} : memref<1584xf32, #tpu.memory_space<vmem>>, vector<16xf32>,
      %swap3A_461 = vector.shape_cast %swap3A_460 : vector<16xf32> to vector<16xf32>
      %swap3A_462 = vector.shape_cast %broadcast_in_dim3A_458 : vector<16xf32> to vector<16xf32>
      tpu.vector_store %arg7[%swap3A_459], %swap3A_462 {strides = array<i32>} : memref<1584xf32, #tpu.memory_space<vmem>>, vector<16xf32>,
      %broadcast_in_dim3A_463 = arith.constant 0.000000e+00 : f32
      %broadcast_in_dim3A_464 = vector.broadcast %broadcast_in_dim3A_463 : f32 to vector<16xf32>
      %swap3A_465 = arith.constant 1232 : index
      %swap3A_466 = tpu.vector_load %arg7[%swap3A_465] {strides = array<i32>} : memref<1584xf32, #tpu.memory_space<vmem>>, vector<16xf32>,
      %swap3A_467 = vector.shape_cast %swap3A_466 : vector<16xf32> to vector<16xf32>
      %swap3A_468 = vector.shape_cast %broadcast_in_dim3A_464 : vector<16xf32> to vector<16xf32>
      tpu.vector_store %arg7[%swap3A_465], %swap3A_468 {strides = array<i32>} : memref<1584xf32, #tpu.memory_space<vmem>>, vector<16xf32>,
      %broadcast_in_dim3A_469 = arith.constant 0.000000e+00 : f32
      %broadcast_in_dim3A_470 = vector.broadcast %broadcast_in_dim3A_469 : f32 to vector<16xf32>
      %swap3A_471 = arith.constant 1248 : index
      %swap3A_472 = tpu.vector_load %arg7[%swap3A_471] {strides = array<i32>} : memref<1584xf32, #tpu.memory_space<vmem>>, vector<16xf32>,
      %swap3A_473 = vector.shape_cast %swap3A_472 : vector<16xf32> to vector<16xf32>
      %swap3A_474 = vector.shape_cast %broadcast_in_dim3A_470 : vector<16xf32> to vector<16xf32>
      tpu.vector_store %arg7[%swap3A_471], %swap3A_474 {strides = array<i32>} : memref<1584xf32, #tpu.memory_space<vmem>>, vector<16xf32>,
      %broadcast_in_dim3A_475 = arith.constant 0.000000e+00 : f32
      %broadcast_in_dim3A_476 = vector.broadcast %broadcast_in_dim3A_475 : f32 to vector<16xf32>
      %swap3A_477 = arith.constant 1264 : index
      %swap3A_478 = tpu.vector_load %arg7[%swap3A_477] {strides = array<i32>} : memref<1584xf32, #tpu.memory_space<vmem>>, vector<16xf32>,
      %swap3A_479 = vector.shape_cast %swap3A_478 : vector<16xf32> to vector<16xf32>
      %swap3A_480 = vector.shape_cast %broadcast_in_dim3A_476 : vector<16xf32> to vector<16xf32>
      tpu.vector_store %arg7[%swap3A_477], %swap3A_480 {strides = array<i32>} : memref<1584xf32, #tpu.memory_space<vmem>>, vector<16xf32>,
      %broadcast_in_dim3A_481 = arith.constant 0.000000e+00 : f32
      %broadcast_in_dim3A_482 = vector.broadcast %broadcast_in_dim3A_481 : f32 to vector<16xf32>
      %swap3A_483 = arith.constant 1280 : index
      %swap3A_484 = tpu.vector_load %arg7[%swap3A_483] {strides = array<i32>} : memref<1584xf32, #tpu.memory_space<vmem>>, vector<16xf32>,
      %swap3A_485 = vector.shape_cast %swap3A_484 : vector<16xf32> to vector<16xf32>
      %swap3A_486 = vector.shape_cast %broadcast_in_dim3A_482 : vector<16xf32> to vector<16xf32>
      tpu.vector_store %arg7[%swap3A_483], %swap3A_486 {strides = array<i32>} : memref<1584xf32, #tpu.memory_space<vmem>>, vector<16xf32>,
      %broadcast_in_dim3A_487 = arith.constant 0.000000e+00 : f32
      %broadcast_in_dim3A_488 = vector.broadcast %broadcast_in_dim3A_487 : f32 to vector<16xf32>
      %swap3A_489 = arith.constant 1296 : index
      %swap3A_490 = tpu.vector_load %arg7[%swap3A_489] {strides = array<i32>} : memref<1584xf32, #tpu.memory_space<vmem>>, vector<16xf32>,
      %swap3A_491 = vector.shape_cast %swap3A_490 : vector<16xf32> to vector<16xf32>
      %swap3A_492 = vector.shape_cast %broadcast_in_dim3A_488 : vector<16xf32> to vector<16xf32>
      tpu.vector_store %arg7[%swap3A_489], %swap3A_492 {strides = array<i32>} : memref<1584xf32, #tpu.memory_space<vmem>>, vector<16xf32>,
      %broadcast_in_dim3A_493 = arith.constant 0.000000e+00 : f32
      %broadcast_in_dim3A_494 = vector.broadcast %broadcast_in_dim3A_493 : f32 to vector<16xf32>
      %swap3A_495 = arith.constant 1312 : index
      %swap3A_496 = tpu.vector_load %arg7[%swap3A_495] {strides = array<i32>} : memref<1584xf32, #tpu.memory_space<vmem>>, vector<16xf32>,
      %swap3A_497 = vector.shape_cast %swap3A_496 : vector<16xf32> to vector<16xf32>
      %swap3A_498 = vector.shape_cast %broadcast_in_dim3A_494 : vector<16xf32> to vector<16xf32>
      tpu.vector_store %arg7[%swap3A_495], %swap3A_498 {strides = array<i32>} : memref<1584xf32, #tpu.memory_space<vmem>>, vector<16xf32>,
      %broadcast_in_dim3A_499 = arith.constant 0.000000e+00 : f32
      %broadcast_in_dim3A_500 = vector.broadcast %broadcast_in_dim3A_499 : f32 to vector<16xf32>
      %swap3A_501 = arith.constant 1328 : index
      %swap3A_502 = tpu.vector_load %arg7[%swap3A_501] {strides = array<i32>} : memref<1584xf32, #tpu.memory_space<vmem>>, vector<16xf32>,
      %swap3A_503 = vector.shape_cast %swap3A_502 : vector<16xf32> to vector<16xf32>
      %swap3A_504 = vector.shape_cast %broadcast_in_dim3A_500 : vector<16xf32> to vector<16xf32>
      tpu.vector_store %arg7[%swap3A_501], %swap3A_504 {strides = array<i32>} : memref<1584xf32, #tpu.memory_space<vmem>>, vector<16xf32>,
      %broadcast_in_dim3A_505 = arith.constant 0.000000e+00 : f32
      %broadcast_in_dim3A_506 = vector.broadcast %broadcast_in_dim3A_505 : f32 to vector<16xf32>
      %swap3A_507 = arith.constant 1344 : index
      %swap3A_508 = tpu.vector_load %arg7[%swap3A_507] {strides = array<i32>} : memref<1584xf32, #tpu.memory_space<vmem>>, vector<16xf32>,
      %swap3A_509 = vector.shape_cast %swap3A_508 : vector<16xf32> to vector<16xf32>
      %swap3A_510 = vector.shape_cast %broadcast_in_dim3A_506 : vector<16xf32> to vector<16xf32>
      tpu.vector_store %arg7[%swap3A_507], %swap3A_510 {strides = array<i32>} : memref<1584xf32, #tpu.memory_space<vmem>>, vector<16xf32>,
      %broadcast_in_dim3A_511 = arith.constant 0.000000e+00 : f32
      %broadcast_in_dim3A_512 = vector.broadcast %broadcast_in_dim3A_511 : f32 to vector<16xf32>
      %swap3A_513 = arith.constant 1360 : index
      %swap3A_514 = tpu.vector_load %arg7[%swap3A_513] {strides = array<i32>} : memref<1584xf32, #tpu.memory_space<vmem>>, vector<16xf32>,
      %swap3A_515 = vector.shape_cast %swap3A_514 : vector<16xf32> to vector<16xf32>
      %swap3A_516 = vector.shape_cast %broadcast_in_dim3A_512 : vector<16xf32> to vector<16xf32>
      tpu.vector_store %arg7[%swap3A_513], %swap3A_516 {strides = array<i32>} : memref<1584xf32, #tpu.memory_space<vmem>>, vector<16xf32>,
      %broadcast_in_dim3A_517 = arith.constant 0.000000e+00 : f32
      %broadcast_in_dim3A_518 = vector.broadcast %broadcast_in_dim3A_517 : f32 to vector<16xf32>
      %swap3A_519 = arith.constant 1376 : index
      %swap3A_520 = tpu.vector_load %arg7[%swap3A_519] {strides = array<i32>} : memref<1584xf32, #tpu.memory_space<vmem>>, vector<16xf32>,
      %swap3A_521 = vector.shape_cast %swap3A_520 : vector<16xf32> to vector<16xf32>
      %swap3A_522 = vector.shape_cast %broadcast_in_dim3A_518 : vector<16xf32> to vector<16xf32>
      tpu.vector_store %arg7[%swap3A_519], %swap3A_522 {strides = array<i32>} : memref<1584xf32, #tpu.memory_space<vmem>>, vector<16xf32>,
      %broadcast_in_dim3A_523 = arith.constant 0.000000e+00 : f32
      %broadcast_in_dim3A_524 = vector.broadcast %broadcast_in_dim3A_523 : f32 to vector<16xf32>
      %swap3A_525 = arith.constant 1392 : index
      %swap3A_526 = tpu.vector_load %arg7[%swap3A_525] {strides = array<i32>} : memref<1584xf32, #tpu.memory_space<vmem>>, vector<16xf32>,
      %swap3A_527 = vector.shape_cast %swap3A_526 : vector<16xf32> to vector<16xf32>
      %swap3A_528 = vector.shape_cast %broadcast_in_dim3A_524 : vector<16xf32> to vector<16xf32>
      tpu.vector_store %arg7[%swap3A_525], %swap3A_528 {strides = array<i32>} : memref<1584xf32, #tpu.memory_space<vmem>>, vector<16xf32>,
      %broadcast_in_dim3A_529 = arith.constant 0.000000e+00 : f32
      %broadcast_in_dim3A_530 = vector.broadcast %broadcast_in_dim3A_529 : f32 to vector<16xf32>
      %swap3A_531 = arith.constant 1408 : index
      %swap3A_532 = tpu.vector_load %arg7[%swap3A_531] {strides = array<i32>} : memref<1584xf32, #tpu.memory_space<vmem>>, vector<16xf32>,
      %swap3A_533 = vector.shape_cast %swap3A_532 : vector<16xf32> to vector<16xf32>
      %swap3A_534 = vector.shape_cast %broadcast_in_dim3A_530 : vector<16xf32> to vector<16xf32>
      tpu.vector_store %arg7[%swap3A_531], %swap3A_534 {strides = array<i32>} : memref<1584xf32, #tpu.memory_space<vmem>>, vector<16xf32>,
      %broadcast_in_dim3A_535 = arith.constant 0.000000e+00 : f32
      %broadcast_in_dim3A_536 = vector.broadcast %broadcast_in_dim3A_535 : f32 to vector<16xf32>
      %swap3A_537 = arith.constant 1424 : index
      %swap3A_538 = tpu.vector_load %arg7[%swap3A_537] {strides = array<i32>} : memref<1584xf32, #tpu.memory_space<vmem>>, vector<16xf32>,
      %swap3A_539 = vector.shape_cast %swap3A_538 : vector<16xf32> to vector<16xf32>
      %swap3A_540 = vector.shape_cast %broadcast_in_dim3A_536 : vector<16xf32> to vector<16xf32>
      tpu.vector_store %arg7[%swap3A_537], %swap3A_540 {strides = array<i32>} : memref<1584xf32, #tpu.memory_space<vmem>>, vector<16xf32>,
      %broadcast_in_dim3A_541 = arith.constant 0.000000e+00 : f32
      %broadcast_in_dim3A_542 = vector.broadcast %broadcast_in_dim3A_541 : f32 to vector<16xf32>
      %swap3A_543 = arith.constant 1440 : index
      %swap3A_544 = tpu.vector_load %arg7[%swap3A_543] {strides = array<i32>} : memref<1584xf32, #tpu.memory_space<vmem>>, vector<16xf32>,
      %swap3A_545 = vector.shape_cast %swap3A_544 : vector<16xf32> to vector<16xf32>
      %swap3A_546 = vector.shape_cast %broadcast_in_dim3A_542 : vector<16xf32> to vector<16xf32>
      tpu.vector_store %arg7[%swap3A_543], %swap3A_546 {strides = array<i32>} : memref<1584xf32, #tpu.memory_space<vmem>>, vector<16xf32>,
      %broadcast_in_dim3A_547 = arith.constant 0.000000e+00 : f32
      %broadcast_in_dim3A_548 = vector.broadcast %broadcast_in_dim3A_547 : f32 to vector<16xf32>
      %swap3A_549 = arith.constant 1456 : index
      %swap3A_550 = tpu.vector_load %arg7[%swap3A_549] {strides = array<i32>} : memref<1584xf32, #tpu.memory_space<vmem>>, vector<16xf32>,
      %swap3A_551 = vector.shape_cast %swap3A_550 : vector<16xf32> to vector<16xf32>
      %swap3A_552 = vector.shape_cast %broadcast_in_dim3A_548 : vector<16xf32> to vector<16xf32>
      tpu.vector_store %arg7[%swap3A_549], %swap3A_552 {strides = array<i32>} : memref<1584xf32, #tpu.memory_space<vmem>>, vector<16xf32>,
      %broadcast_in_dim3A_553 = arith.constant 0.000000e+00 : f32
      %broadcast_in_dim3A_554 = vector.broadcast %broadcast_in_dim3A_553 : f32 to vector<16xf32>
      %swap3A_555 = arith.constant 1472 : index
      %swap3A_556 = tpu.vector_load %arg7[%swap3A_555] {strides = array<i32>} : memref<1584xf32, #tpu.memory_space<vmem>>, vector<16xf32>,
      %swap3A_557 = vector.shape_cast %swap3A_556 : vector<16xf32> to vector<16xf32>
      %swap3A_558 = vector.shape_cast %broadcast_in_dim3A_554 : vector<16xf32> to vector<16xf32>
      tpu.vector_store %arg7[%swap3A_555], %swap3A_558 {strides = array<i32>} : memref<1584xf32, #tpu.memory_space<vmem>>, vector<16xf32>,
      %broadcast_in_dim3A_559 = arith.constant 0.000000e+00 : f32
      %broadcast_in_dim3A_560 = vector.broadcast %broadcast_in_dim3A_559 : f32 to vector<16xf32>
      %swap3A_561 = arith.constant 1488 : index
      %swap3A_562 = tpu.vector_load %arg7[%swap3A_561] {strides = array<i32>} : memref<1584xf32, #tpu.memory_space<vmem>>, vector<16xf32>,
      %swap3A_563 = vector.shape_cast %swap3A_562 : vector<16xf32> to vector<16xf32>
      %swap3A_564 = vector.shape_cast %broadcast_in_dim3A_560 : vector<16xf32> to vector<16xf32>
      tpu.vector_store %arg7[%swap3A_561], %swap3A_564 {strides = array<i32>} : memref<1584xf32, #tpu.memory_space<vmem>>, vector<16xf32>,
      %broadcast_in_dim3A_565 = arith.constant 0.000000e+00 : f32
      %broadcast_in_dim3A_566 = vector.broadcast %broadcast_in_dim3A_565 : f32 to vector<16xf32>
      %swap3A_567 = arith.constant 1504 : index
      %swap3A_568 = tpu.vector_load %arg7[%swap3A_567] {strides = array<i32>} : memref<1584xf32, #tpu.memory_space<vmem>>, vector<16xf32>,
      %swap3A_569 = vector.shape_cast %swap3A_568 : vector<16xf32> to vector<16xf32>
      %swap3A_570 = vector.shape_cast %broadcast_in_dim3A_566 : vector<16xf32> to vector<16xf32>
      tpu.vector_store %arg7[%swap3A_567], %swap3A_570 {strides = array<i32>} : memref<1584xf32, #tpu.memory_space<vmem>>, vector<16xf32>,
      %broadcast_in_dim3A_571 = arith.constant 0.000000e+00 : f32
      %broadcast_in_dim3A_572 = vector.broadcast %broadcast_in_dim3A_571 : f32 to vector<16xf32>
      %swap3A_573 = arith.constant 1520 : index
      %swap3A_574 = tpu.vector_load %arg7[%swap3A_573] {strides = array<i32>} : memref<1584xf32, #tpu.memory_space<vmem>>, vector<16xf32>,
      %swap3A_575 = vector.shape_cast %swap3A_574 : vector<16xf32> to vector<16xf32>
      %swap3A_576 = vector.shape_cast %broadcast_in_dim3A_572 : vector<16xf32> to vector<16xf32>
      tpu.vector_store %arg7[%swap3A_573], %swap3A_576 {strides = array<i32>} : memref<1584xf32, #tpu.memory_space<vmem>>, vector<16xf32>,
      %broadcast_in_dim3A_577 = arith.constant 0.000000e+00 : f32
      %broadcast_in_dim3A_578 = vector.broadcast %broadcast_in_dim3A_577 : f32 to vector<16xf32>
      %swap3A_579 = arith.constant 1536 : index
      %swap3A_580 = tpu.vector_load %arg7[%swap3A_579] {strides = array<i32>} : memref<1584xf32, #tpu.memory_space<vmem>>, vector<16xf32>,
      %swap3A_581 = vector.shape_cast %swap3A_580 : vector<16xf32> to vector<16xf32>
      %swap3A_582 = vector.shape_cast %broadcast_in_dim3A_578 : vector<16xf32> to vector<16xf32>
      tpu.vector_store %arg7[%swap3A_579], %swap3A_582 {strides = array<i32>} : memref<1584xf32, #tpu.memory_space<vmem>>, vector<16xf32>,
      %broadcast_in_dim3A_583 = arith.constant 0.000000e+00 : f32
      %broadcast_in_dim3A_584 = vector.broadcast %broadcast_in_dim3A_583 : f32 to vector<16xf32>
      %swap3A_585 = arith.constant 1552 : index
      %swap3A_586 = tpu.vector_load %arg7[%swap3A_585] {strides = array<i32>} : memref<1584xf32, #tpu.memory_space<vmem>>, vector<16xf32>,
      %swap3A_587 = vector.shape_cast %swap3A_586 : vector<16xf32> to vector<16xf32>
      %swap3A_588 = vector.shape_cast %broadcast_in_dim3A_584 : vector<16xf32> to vector<16xf32>
      tpu.vector_store %arg7[%swap3A_585], %swap3A_588 {strides = array<i32>} : memref<1584xf32, #tpu.memory_space<vmem>>, vector<16xf32>,
      %broadcast_in_dim3A_589 = arith.constant 0.000000e+00 : f32
      %broadcast_in_dim3A_590 = vector.broadcast %broadcast_in_dim3A_589 : f32 to vector<16xf32>
      %swap3A_591 = arith.constant 1568 : index
      %swap3A_592 = tpu.vector_load %arg7[%swap3A_591] {strides = array<i32>} : memref<1584xf32, #tpu.memory_space<vmem>>, vector<16xf32>,
      %swap3A_593 = vector.shape_cast %swap3A_592 : vector<16xf32> to vector<16xf32>
      %swap3A_594 = vector.shape_cast %broadcast_in_dim3A_590 : vector<16xf32> to vector<16xf32>
      tpu.vector_store %arg7[%swap3A_591], %swap3A_594 {strides = array<i32>} : memref<1584xf32, #tpu.memory_space<vmem>>, vector<16xf32>,
      %broadcast_in_dim3A_595 = arith.constant 1.000000e+00 : f32
      %broadcast_in_dim3A_596 = vector.broadcast %broadcast_in_dim3A_595 : f32 to vector<16xf32>
      %scan3A = arith.constant 0 : i32
      %scan3A_597 = arith.constant 0 : i32
      %scan3A_598 = arith.constant 10 : i32
      %scan3A_599 = arith.addi %scan3A_597, %scan3A_598 : i32
      %scan3A_600 = arith.constant 1 : i32
      scf.for %scan3A_602 = %scan3A_597 to %scan3A_599 step %scan3A_600  : i32 {
        %mul3A_603 = arith.constant 4000 : i32
        %mul3A_604 = arith.muli %add3A, %mul3A_603 : i32
        %mul3A_605 = arith.constant 400 : i32
        %mul3A_606 = arith.muli %scan3A_602, %mul3A_605 : i32
        %add3A_607 = arith.addi %mul3A_604, %mul3A_606 : i32
        "tpu.region"() ({
          %run_scoped3A = tpu.sem_alloc : memref<!tpu.dma_semaphore, #tpu.memory_space<semaphore_mem>>
          %dma_start3A = arith.constant 0 : i32
          %dma_start3A_614 = tpu.memref_slice %arg2[%add3A_607, %dma_start3A] : memref<100000x32xf32, #tpu.memory_space<hbm>> -> memref<400x32xf32, #tpu.memory_space<hbm>>
          %dma_start3A_615 = arith.constant 0 : i32
          %dma_start3A_616 = tpu.memref_slice %arg2[%add3A_607, %dma_start3A_615] : memref<100000x32xf32, #tpu.memory_space<hbm>> -> memref<400x32xf32, #tpu.memory_space<hbm>>
          tpu.enqueue_dma source(%dma_start3A_616 : memref<400x32xf32, #tpu.memory_space<hbm>>) target(%arg5 : memref<400x32xf32, #tpu.memory_space<vmem>>) target_semaphore(%run_scoped3A : memref<!tpu.dma_semaphore, #tpu.memory_space<semaphore_mem>>)
          %dma_wait3A = arith.constant 0 : i32
          %dma_wait3A_617 = tpu.memref_slice %arg2[%add3A_607, %dma_wait3A] : memref<100000x32xf32, #tpu.memory_space<hbm>> -> memref<400x32xf32, #tpu.memory_space<hbm>>
          %dma_wait3A_618 = arith.constant 0 : i32
          %dma_wait3A_619 = tpu.memref_slice %arg2[%add3A_607, %dma_wait3A_618] : memref<100000x32xf32, #tpu.memory_space<hbm>> -> memref<400x32xf32, #tpu.memory_space<hbm>>
          tpu.wait_dma2 semaphore(%run_scoped3A : memref<!tpu.dma_semaphore, #tpu.memory_space<semaphore_mem>>) src(%dma_wait3A_619 : memref<400x32xf32, #tpu.memory_space<hbm>>) dst(%arg5 : memref<400x32xf32, #tpu.memory_space<vmem>>)
          tpu.yield
        }) : () -> ()
        "tpu.region"() ({
          %run_scoped3A = tpu.sem_alloc : memref<!tpu.dma_semaphore, #tpu.memory_space<semaphore_mem>>
          %dma_start3A = tpu.memref_slice %arg3[%add3A_607] : memref<100000xi32, #tpu.memory_space<hbm>> -> memref<400xi32, #tpu.memory_space<hbm>>
          %dma_start3A_614 = tpu.memref_slice %arg3[%add3A_607] : memref<100000xi32, #tpu.memory_space<hbm>> -> memref<400xi32, #tpu.memory_space<hbm>>
          tpu.enqueue_dma source(%dma_start3A_614 : memref<400xi32, #tpu.memory_space<hbm>>) target(%arg6 : memref<400xi32, #tpu.memory_space<vmem>>) target_semaphore(%run_scoped3A : memref<!tpu.dma_semaphore, #tpu.memory_space<semaphore_mem>>)
          %dma_wait3A = tpu.memref_slice %arg3[%add3A_607] : memref<100000xi32, #tpu.memory_space<hbm>> -> memref<400xi32, #tpu.memory_space<hbm>>
          %dma_wait3A_615 = tpu.memref_slice %arg3[%add3A_607] : memref<100000xi32, #tpu.memory_space<hbm>> -> memref<400xi32, #tpu.memory_space<hbm>>
          tpu.wait_dma2 semaphore(%run_scoped3A : memref<!tpu.dma_semaphore, #tpu.memory_space<semaphore_mem>>) src(%dma_wait3A_615 : memref<400xi32, #tpu.memory_space<hbm>>) dst(%arg6 : memref<400xi32, #tpu.memory_space<vmem>>)
          tpu.yield
        }) : () -> ()
        %scan3A_608 = arith.constant 0 : i32
        %scan3A_609 = arith.constant 0 : i32
        %scan3A_610 = arith.constant 25 : i32
        %scan3A_611 = arith.addi %scan3A_609, %scan3A_610 : i32
        %scan3A_612 = arith.constant 1 : i32
        scf.for %scan3A_614 = %scan3A_609 to %scan3A_611 step %scan3A_612  : i32 {
          %mul3A_615 = arith.constant 16 : i32
          %mul3A_616 = arith.muli %scan3A_614, %mul3A_615 : i32
          %get3A = arith.index_cast %mul3A_616 : i32 to index
          %get3A_617 = tpu.vector_load %arg6[%get3A] {strides = array<i32>} : memref<400xi32, #tpu.memory_space<vmem>>, vector<16xi32>,
          %get3A_618 = vector.shape_cast %get3A_617 : vector<16xi32> to vector<16xi32>
          %mul3A_619 = arith.constant 16 : i32
          %mul3A_620 = arith.muli %scan3A_614, %mul3A_619 : i32
          %add3A_621 = arith.constant 0 : i32
          %add3A_622 = arith.addi %mul3A_620, %add3A_621 : i32
          %slice3A = vector.extract_strided_slice %get3A_618 {offsets = [0], sizes = [1], strides = [1]} : vector<16xi32> to vector<1xi32>
          %squeeze3A = vector.extract %slice3A[0] : i32 from vector<1xi32>
          %mul3A_623 = arith.constant 48 : i32
          %mul3A_624 = arith.muli %squeeze3A, %mul3A_623 : i32
          %get3A_625 = arith.index_cast %mul3A_624 : i32 to index
          %get3A_626 = tpu.vector_load %arg7[%get3A_625] {strides = array<i32>} : memref<1584xf32, #tpu.memory_space<vmem>>, vector<16xf32>,
          %get3A_627 = vector.shape_cast %get3A_626 : vector<16xf32> to vector<16xf32>
          %get3A_628 = arith.index_cast %add3A_622 : i32 to index
          %get3A_629 = arith.constant 0 : index
          %get3A_630 = tpu.vector_load %arg5[%get3A_628, %get3A_629] {strides = array<i32>} : memref<400x32xf32, #tpu.memory_space<vmem>>, vector<1x16xf32>,
          %get3A_631 = vector.shape_cast %get3A_630 : vector<1x16xf32> to vector<16xf32>
          %add3A_632 = arith.addf %get3A_627, %get3A_631 : vector<16xf32>
          %swap3A_633 = arith.index_cast %mul3A_624 : i32 to index
          %swap3A_634 = tpu.vector_load %arg7[%swap3A_633] {strides = array<i32>} : memref<1584xf32, #tpu.memory_space<vmem>>, vector<16xf32>,
          %swap3A_635 = vector.shape_cast %swap3A_634 : vector<16xf32> to vector<16xf32>
          %swap3A_636 = vector.shape_cast %add3A_632 : vector<16xf32> to vector<16xf32>
          tpu.vector_store %arg7[%swap3A_633], %swap3A_636 {strides = array<i32>} : memref<1584xf32, #tpu.memory_space<vmem>>, vector<16xf32>,
          %add3A_637 = arith.constant 16 : i32
          %add3A_638 = arith.addi %mul3A_624, %add3A_637 : i32
          %get3A_639 = arith.index_cast %add3A_638 : i32 to index
          %get3A_640 = tpu.vector_load %arg7[%get3A_639] {strides = array<i32>} : memref<1584xf32, #tpu.memory_space<vmem>>, vector<16xf32>,
          %get3A_641 = vector.shape_cast %get3A_640 : vector<16xf32> to vector<16xf32>
          %get3A_642 = arith.index_cast %add3A_622 : i32 to index
          %get3A_643 = arith.constant 16 : index
          %get3A_644 = tpu.vector_load %arg5[%get3A_642, %get3A_643] {strides = array<i32>} : memref<400x32xf32, #tpu.memory_space<vmem>>, vector<1x16xf32>,
          %get3A_645 = vector.shape_cast %get3A_644 : vector<1x16xf32> to vector<16xf32>
          %add3A_646 = arith.addf %get3A_641, %get3A_645 : vector<16xf32>
          %add3A_647 = arith.constant 16 : i32
          %add3A_648 = arith.addi %mul3A_624, %add3A_647 : i32
          %swap3A_649 = arith.index_cast %add3A_648 : i32 to index
          %swap3A_650 = tpu.vector_load %arg7[%swap3A_649] {strides = array<i32>} : memref<1584xf32, #tpu.memory_space<vmem>>, vector<16xf32>,
          %swap3A_651 = vector.shape_cast %swap3A_650 : vector<16xf32> to vector<16xf32>
          %swap3A_652 = vector.shape_cast %add3A_646 : vector<16xf32> to vector<16xf32>
          tpu.vector_store %arg7[%swap3A_649], %swap3A_652 {strides = array<i32>} : memref<1584xf32, #tpu.memory_space<vmem>>, vector<16xf32>,
          %add3A_653 = arith.constant 32 : i32
          %add3A_654 = arith.addi %mul3A_624, %add3A_653 : i32
          %get3A_655 = arith.index_cast %add3A_654 : i32 to index
          %get3A_656 = tpu.vector_load %arg7[%get3A_655] {strides = array<i32>} : memref<1584xf32, #tpu.memory_space<vmem>>, vector<16xf32>,
          %get3A_657 = vector.shape_cast %get3A_656 : vector<16xf32> to vector<16xf32>
          %add3A_658 = arith.addf %get3A_657, %broadcast_in_dim3A_596 : vector<16xf32>
          %add3A_659 = arith.constant 32 : i32
          %add3A_660 = arith.addi %mul3A_624, %add3A_659 : i32
          %swap3A_661 = arith.index_cast %add3A_660 : i32 to index
          %swap3A_662 = tpu.vector_load %arg7[%swap3A_661] {strides = array<i32>} : memref<1584xf32, #tpu.memory_space<vmem>>, vector<16xf32>,
          %swap3A_663 = vector.shape_cast %swap3A_662 : vector<16xf32> to vector<16xf32>
          %swap3A_664 = vector.shape_cast %add3A_658 : vector<16xf32> to vector<16xf32>
          tpu.vector_store %arg7[%swap3A_661], %swap3A_664 {strides = array<i32>} : memref<1584xf32, #tpu.memory_space<vmem>>, vector<16xf32>,
          %mul3A_665 = arith.constant 16 : i32
          %mul3A_666 = arith.muli %scan3A_614, %mul3A_665 : i32
          %add3A_667 = arith.constant 1 : i32
          %add3A_668 = arith.addi %mul3A_666, %add3A_667 : i32
          %slice3A_669 = vector.extract_strided_slice %get3A_618 {offsets = [1], sizes = [1], strides = [1]} : vector<16xi32> to vector<1xi32>
          %squeeze3A_670 = vector.extract %slice3A_669[0] : i32 from vector<1xi32>
          %mul3A_671 = arith.constant 48 : i32
          %mul3A_672 = arith.muli %squeeze3A_670, %mul3A_671 : i32
          %get3A_673 = arith.index_cast %mul3A_672 : i32 to index
          %get3A_674 = tpu.vector_load %arg7[%get3A_673] {strides = array<i32>} : memref<1584xf32, #tpu.memory_space<vmem>>, vector<16xf32>,
          %get3A_675 = vector.shape_cast %get3A_674 : vector<16xf32> to vector<16xf32>
          %get3A_676 = arith.index_cast %add3A_668 : i32 to index
          %get3A_677 = arith.constant 0 : index
          %get3A_678 = tpu.vector_load %arg5[%get3A_676, %get3A_677] {strides = array<i32>} : memref<400x32xf32, #tpu.memory_space<vmem>>, vector<1x16xf32>,
          %get3A_679 = vector.shape_cast %get3A_678 : vector<1x16xf32> to vector<16xf32>
          %add3A_680 = arith.addf %get3A_675, %get3A_679 : vector<16xf32>
          %swap3A_681 = arith.index_cast %mul3A_672 : i32 to index
          %swap3A_682 = tpu.vector_load %arg7[%swap3A_681] {strides = array<i32>} : memref<1584xf32, #tpu.memory_space<vmem>>, vector<16xf32>,
          %swap3A_683 = vector.shape_cast %swap3A_682 : vector<16xf32> to vector<16xf32>
          %swap3A_684 = vector.shape_cast %add3A_680 : vector<16xf32> to vector<16xf32>
          tpu.vector_store %arg7[%swap3A_681], %swap3A_684 {strides = array<i32>} : memref<1584xf32, #tpu.memory_space<vmem>>, vector<16xf32>,
          %add3A_685 = arith.constant 16 : i32
          %add3A_686 = arith.addi %mul3A_672, %add3A_685 : i32
          %get3A_687 = arith.index_cast %add3A_686 : i32 to index
          %get3A_688 = tpu.vector_load %arg7[%get3A_687] {strides = array<i32>} : memref<1584xf32, #tpu.memory_space<vmem>>, vector<16xf32>,
          %get3A_689 = vector.shape_cast %get3A_688 : vector<16xf32> to vector<16xf32>
          %get3A_690 = arith.index_cast %add3A_668 : i32 to index
          %get3A_691 = arith.constant 16 : index
          %get3A_692 = tpu.vector_load %arg5[%get3A_690, %get3A_691] {strides = array<i32>} : memref<400x32xf32, #tpu.memory_space<vmem>>, vector<1x16xf32>,
          %get3A_693 = vector.shape_cast %get3A_692 : vector<1x16xf32> to vector<16xf32>
          %add3A_694 = arith.addf %get3A_689, %get3A_693 : vector<16xf32>
          %add3A_695 = arith.constant 16 : i32
          %add3A_696 = arith.addi %mul3A_672, %add3A_695 : i32
          %swap3A_697 = arith.index_cast %add3A_696 : i32 to index
          %swap3A_698 = tpu.vector_load %arg7[%swap3A_697] {strides = array<i32>} : memref<1584xf32, #tpu.memory_space<vmem>>, vector<16xf32>,
          %swap3A_699 = vector.shape_cast %swap3A_698 : vector<16xf32> to vector<16xf32>
          %swap3A_700 = vector.shape_cast %add3A_694 : vector<16xf32> to vector<16xf32>
          tpu.vector_store %arg7[%swap3A_697], %swap3A_700 {strides = array<i32>} : memref<1584xf32, #tpu.memory_space<vmem>>, vector<16xf32>,
          %add3A_701 = arith.constant 32 : i32
          %add3A_702 = arith.addi %mul3A_672, %add3A_701 : i32
          %get3A_703 = arith.index_cast %add3A_702 : i32 to index
          %get3A_704 = tpu.vector_load %arg7[%get3A_703] {strides = array<i32>} : memref<1584xf32, #tpu.memory_space<vmem>>, vector<16xf32>,
          %get3A_705 = vector.shape_cast %get3A_704 : vector<16xf32> to vector<16xf32>
          %add3A_706 = arith.addf %get3A_705, %broadcast_in_dim3A_596 : vector<16xf32>
          %add3A_707 = arith.constant 32 : i32
          %add3A_708 = arith.addi %mul3A_672, %add3A_707 : i32
          %swap3A_709 = arith.index_cast %add3A_708 : i32 to index
          %swap3A_710 = tpu.vector_load %arg7[%swap3A_709] {strides = array<i32>} : memref<1584xf32, #tpu.memory_space<vmem>>, vector<16xf32>,
          %swap3A_711 = vector.shape_cast %swap3A_710 : vector<16xf32> to vector<16xf32>
          %swap3A_712 = vector.shape_cast %add3A_706 : vector<16xf32> to vector<16xf32>
          tpu.vector_store %arg7[%swap3A_709], %swap3A_712 {strides = array<i32>} : memref<1584xf32, #tpu.memory_space<vmem>>, vector<16xf32>,
          %mul3A_713 = arith.constant 16 : i32
          %mul3A_714 = arith.muli %scan3A_614, %mul3A_713 : i32
          %add3A_715 = arith.constant 2 : i32
          %add3A_716 = arith.addi %mul3A_714, %add3A_715 : i32
          %slice3A_717 = vector.extract_strided_slice %get3A_618 {offsets = [2], sizes = [1], strides = [1]} : vector<16xi32> to vector<1xi32>
          %squeeze3A_718 = vector.extract %slice3A_717[0] : i32 from vector<1xi32>
          %mul3A_719 = arith.constant 48 : i32
          %mul3A_720 = arith.muli %squeeze3A_718, %mul3A_719 : i32
          %get3A_721 = arith.index_cast %mul3A_720 : i32 to index
          %get3A_722 = tpu.vector_load %arg7[%get3A_721] {strides = array<i32>} : memref<1584xf32, #tpu.memory_space<vmem>>, vector<16xf32>,
          %get3A_723 = vector.shape_cast %get3A_722 : vector<16xf32> to vector<16xf32>
          %get3A_724 = arith.index_cast %add3A_716 : i32 to index
          %get3A_725 = arith.constant 0 : index
          %get3A_726 = tpu.vector_load %arg5[%get3A_724, %get3A_725] {strides = array<i32>} : memref<400x32xf32, #tpu.memory_space<vmem>>, vector<1x16xf32>,
          %get3A_727 = vector.shape_cast %get3A_726 : vector<1x16xf32> to vector<16xf32>
          %add3A_728 = arith.addf %get3A_723, %get3A_727 : vector<16xf32>
          %swap3A_729 = arith.index_cast %mul3A_720 : i32 to index
          %swap3A_730 = tpu.vector_load %arg7[%swap3A_729] {strides = array<i32>} : memref<1584xf32, #tpu.memory_space<vmem>>, vector<16xf32>,
          %swap3A_731 = vector.shape_cast %swap3A_730 : vector<16xf32> to vector<16xf32>
          %swap3A_732 = vector.shape_cast %add3A_728 : vector<16xf32> to vector<16xf32>
          tpu.vector_store %arg7[%swap3A_729], %swap3A_732 {strides = array<i32>} : memref<1584xf32, #tpu.memory_space<vmem>>, vector<16xf32>,
          %add3A_733 = arith.constant 16 : i32
          %add3A_734 = arith.addi %mul3A_720, %add3A_733 : i32
          %get3A_735 = arith.index_cast %add3A_734 : i32 to index
          %get3A_736 = tpu.vector_load %arg7[%get3A_735] {strides = array<i32>} : memref<1584xf32, #tpu.memory_space<vmem>>, vector<16xf32>,
          %get3A_737 = vector.shape_cast %get3A_736 : vector<16xf32> to vector<16xf32>
          %get3A_738 = arith.index_cast %add3A_716 : i32 to index
          %get3A_739 = arith.constant 16 : index
          %get3A_740 = tpu.vector_load %arg5[%get3A_738, %get3A_739] {strides = array<i32>} : memref<400x32xf32, #tpu.memory_space<vmem>>, vector<1x16xf32>,
          %get3A_741 = vector.shape_cast %get3A_740 : vector<1x16xf32> to vector<16xf32>
          %add3A_742 = arith.addf %get3A_737, %get3A_741 : vector<16xf32>
          %add3A_743 = arith.constant 16 : i32
          %add3A_744 = arith.addi %mul3A_720, %add3A_743 : i32
          %swap3A_745 = arith.index_cast %add3A_744 : i32 to index
          %swap3A_746 = tpu.vector_load %arg7[%swap3A_745] {strides = array<i32>} : memref<1584xf32, #tpu.memory_space<vmem>>, vector<16xf32>,
          %swap3A_747 = vector.shape_cast %swap3A_746 : vector<16xf32> to vector<16xf32>
          %swap3A_748 = vector.shape_cast %add3A_742 : vector<16xf32> to vector<16xf32>
          tpu.vector_store %arg7[%swap3A_745], %swap3A_748 {strides = array<i32>} : memref<1584xf32, #tpu.memory_space<vmem>>, vector<16xf32>,
          %add3A_749 = arith.constant 32 : i32
          %add3A_750 = arith.addi %mul3A_720, %add3A_749 : i32
          %get3A_751 = arith.index_cast %add3A_750 : i32 to index
          %get3A_752 = tpu.vector_load %arg7[%get3A_751] {strides = array<i32>} : memref<1584xf32, #tpu.memory_space<vmem>>, vector<16xf32>,
          %get3A_753 = vector.shape_cast %get3A_752 : vector<16xf32> to vector<16xf32>
          %add3A_754 = arith.addf %get3A_753, %broadcast_in_dim3A_596 : vector<16xf32>
          %add3A_755 = arith.constant 32 : i32
          %add3A_756 = arith.addi %mul3A_720, %add3A_755 : i32
          %swap3A_757 = arith.index_cast %add3A_756 : i32 to index
          %swap3A_758 = tpu.vector_load %arg7[%swap3A_757] {strides = array<i32>} : memref<1584xf32, #tpu.memory_space<vmem>>, vector<16xf32>,
          %swap3A_759 = vector.shape_cast %swap3A_758 : vector<16xf32> to vector<16xf32>
          %swap3A_760 = vector.shape_cast %add3A_754 : vector<16xf32> to vector<16xf32>
          tpu.vector_store %arg7[%swap3A_757], %swap3A_760 {strides = array<i32>} : memref<1584xf32, #tpu.memory_space<vmem>>, vector<16xf32>,
          %mul3A_761 = arith.constant 16 : i32
          %mul3A_762 = arith.muli %scan3A_614, %mul3A_761 : i32
          %add3A_763 = arith.constant 3 : i32
          %add3A_764 = arith.addi %mul3A_762, %add3A_763 : i32
          %slice3A_765 = vector.extract_strided_slice %get3A_618 {offsets = [3], sizes = [1], strides = [1]} : vector<16xi32> to vector<1xi32>
          %squeeze3A_766 = vector.extract %slice3A_765[0] : i32 from vector<1xi32>
          %mul3A_767 = arith.constant 48 : i32
          %mul3A_768 = arith.muli %squeeze3A_766, %mul3A_767 : i32
          %get3A_769 = arith.index_cast %mul3A_768 : i32 to index
          %get3A_770 = tpu.vector_load %arg7[%get3A_769] {strides = array<i32>} : memref<1584xf32, #tpu.memory_space<vmem>>, vector<16xf32>,
          %get3A_771 = vector.shape_cast %get3A_770 : vector<16xf32> to vector<16xf32>
          %get3A_772 = arith.index_cast %add3A_764 : i32 to index
          %get3A_773 = arith.constant 0 : index
          %get3A_774 = tpu.vector_load %arg5[%get3A_772, %get3A_773] {strides = array<i32>} : memref<400x32xf32, #tpu.memory_space<vmem>>, vector<1x16xf32>,
          %get3A_775 = vector.shape_cast %get3A_774 : vector<1x16xf32> to vector<16xf32>
          %add3A_776 = arith.addf %get3A_771, %get3A_775 : vector<16xf32>
          %swap3A_777 = arith.index_cast %mul3A_768 : i32 to index
          %swap3A_778 = tpu.vector_load %arg7[%swap3A_777] {strides = array<i32>} : memref<1584xf32, #tpu.memory_space<vmem>>, vector<16xf32>,
          %swap3A_779 = vector.shape_cast %swap3A_778 : vector<16xf32> to vector<16xf32>
          %swap3A_780 = vector.shape_cast %add3A_776 : vector<16xf32> to vector<16xf32>
          tpu.vector_store %arg7[%swap3A_777], %swap3A_780 {strides = array<i32>} : memref<1584xf32, #tpu.memory_space<vmem>>, vector<16xf32>,
          %add3A_781 = arith.constant 16 : i32
          %add3A_782 = arith.addi %mul3A_768, %add3A_781 : i32
          %get3A_783 = arith.index_cast %add3A_782 : i32 to index
          %get3A_784 = tpu.vector_load %arg7[%get3A_783] {strides = array<i32>} : memref<1584xf32, #tpu.memory_space<vmem>>, vector<16xf32>,
          %get3A_785 = vector.shape_cast %get3A_784 : vector<16xf32> to vector<16xf32>
          %get3A_786 = arith.index_cast %add3A_764 : i32 to index
          %get3A_787 = arith.constant 16 : index
          %get3A_788 = tpu.vector_load %arg5[%get3A_786, %get3A_787] {strides = array<i32>} : memref<400x32xf32, #tpu.memory_space<vmem>>, vector<1x16xf32>,
          %get3A_789 = vector.shape_cast %get3A_788 : vector<1x16xf32> to vector<16xf32>
          %add3A_790 = arith.addf %get3A_785, %get3A_789 : vector<16xf32>
          %add3A_791 = arith.constant 16 : i32
          %add3A_792 = arith.addi %mul3A_768, %add3A_791 : i32
          %swap3A_793 = arith.index_cast %add3A_792 : i32 to index
          %swap3A_794 = tpu.vector_load %arg7[%swap3A_793] {strides = array<i32>} : memref<1584xf32, #tpu.memory_space<vmem>>, vector<16xf32>,
          %swap3A_795 = vector.shape_cast %swap3A_794 : vector<16xf32> to vector<16xf32>
          %swap3A_796 = vector.shape_cast %add3A_790 : vector<16xf32> to vector<16xf32>
          tpu.vector_store %arg7[%swap3A_793], %swap3A_796 {strides = array<i32>} : memref<1584xf32, #tpu.memory_space<vmem>>, vector<16xf32>,
          %add3A_797 = arith.constant 32 : i32
          %add3A_798 = arith.addi %mul3A_768, %add3A_797 : i32
          %get3A_799 = arith.index_cast %add3A_798 : i32 to index
          %get3A_800 = tpu.vector_load %arg7[%get3A_799] {strides = array<i32>} : memref<1584xf32, #tpu.memory_space<vmem>>, vector<16xf32>,
          %get3A_801 = vector.shape_cast %get3A_800 : vector<16xf32> to vector<16xf32>
          %add3A_802 = arith.addf %get3A_801, %broadcast_in_dim3A_596 : vector<16xf32>
          %add3A_803 = arith.constant 32 : i32
          %add3A_804 = arith.addi %mul3A_768, %add3A_803 : i32
          %swap3A_805 = arith.index_cast %add3A_804 : i32 to index
          %swap3A_806 = tpu.vector_load %arg7[%swap3A_805] {strides = array<i32>} : memref<1584xf32, #tpu.memory_space<vmem>>, vector<16xf32>,
          %swap3A_807 = vector.shape_cast %swap3A_806 : vector<16xf32> to vector<16xf32>
          %swap3A_808 = vector.shape_cast %add3A_802 : vector<16xf32> to vector<16xf32>
          tpu.vector_store %arg7[%swap3A_805], %swap3A_808 {strides = array<i32>} : memref<1584xf32, #tpu.memory_space<vmem>>, vector<16xf32>,
          %mul3A_809 = arith.constant 16 : i32
          %mul3A_810 = arith.muli %scan3A_614, %mul3A_809 : i32
          %add3A_811 = arith.constant 4 : i32
          %add3A_812 = arith.addi %mul3A_810, %add3A_811 : i32
          %slice3A_813 = vector.extract_strided_slice %get3A_618 {offsets = [4], sizes = [1], strides = [1]} : vector<16xi32> to vector<1xi32>
          %squeeze3A_814 = vector.extract %slice3A_813[0] : i32 from vector<1xi32>
          %mul3A_815 = arith.constant 48 : i32
          %mul3A_816 = arith.muli %squeeze3A_814, %mul3A_815 : i32
          %get3A_817 = arith.index_cast %mul3A_816 : i32 to index
          %get3A_818 = tpu.vector_load %arg7[%get3A_817] {strides = array<i32>} : memref<1584xf32, #tpu.memory_space<vmem>>, vector<16xf32>,
          %get3A_819 = vector.shape_cast %get3A_818 : vector<16xf32> to vector<16xf32>
          %get3A_820 = arith.index_cast %add3A_812 : i32 to index
          %get3A_821 = arith.constant 0 : index
          %get3A_822 = tpu.vector_load %arg5[%get3A_820, %get3A_821] {strides = array<i32>} : memref<400x32xf32, #tpu.memory_space<vmem>>, vector<1x16xf32>,
          %get3A_823 = vector.shape_cast %get3A_822 : vector<1x16xf32> to vector<16xf32>
          %add3A_824 = arith.addf %get3A_819, %get3A_823 : vector<16xf32>
          %swap3A_825 = arith.index_cast %mul3A_816 : i32 to index
          %swap3A_826 = tpu.vector_load %arg7[%swap3A_825] {strides = array<i32>} : memref<1584xf32, #tpu.memory_space<vmem>>, vector<16xf32>,
          %swap3A_827 = vector.shape_cast %swap3A_826 : vector<16xf32> to vector<16xf32>
          %swap3A_828 = vector.shape_cast %add3A_824 : vector<16xf32> to vector<16xf32>
          tpu.vector_store %arg7[%swap3A_825], %swap3A_828 {strides = array<i32>} : memref<1584xf32, #tpu.memory_space<vmem>>, vector<16xf32>,
          %add3A_829 = arith.constant 16 : i32
          %add3A_830 = arith.addi %mul3A_816, %add3A_829 : i32
          %get3A_831 = arith.index_cast %add3A_830 : i32 to index
          %get3A_832 = tpu.vector_load %arg7[%get3A_831] {strides = array<i32>} : memref<1584xf32, #tpu.memory_space<vmem>>, vector<16xf32>,
          %get3A_833 = vector.shape_cast %get3A_832 : vector<16xf32> to vector<16xf32>
          %get3A_834 = arith.index_cast %add3A_812 : i32 to index
          %get3A_835 = arith.constant 16 : index
          %get3A_836 = tpu.vector_load %arg5[%get3A_834, %get3A_835] {strides = array<i32>} : memref<400x32xf32, #tpu.memory_space<vmem>>, vector<1x16xf32>,
          %get3A_837 = vector.shape_cast %get3A_836 : vector<1x16xf32> to vector<16xf32>
          %add3A_838 = arith.addf %get3A_833, %get3A_837 : vector<16xf32>
          %add3A_839 = arith.constant 16 : i32
          %add3A_840 = arith.addi %mul3A_816, %add3A_839 : i32
          %swap3A_841 = arith.index_cast %add3A_840 : i32 to index
          %swap3A_842 = tpu.vector_load %arg7[%swap3A_841] {strides = array<i32>} : memref<1584xf32, #tpu.memory_space<vmem>>, vector<16xf32>,
          %swap3A_843 = vector.shape_cast %swap3A_842 : vector<16xf32> to vector<16xf32>
          %swap3A_844 = vector.shape_cast %add3A_838 : vector<16xf32> to vector<16xf32>
          tpu.vector_store %arg7[%swap3A_841], %swap3A_844 {strides = array<i32>} : memref<1584xf32, #tpu.memory_space<vmem>>, vector<16xf32>,
          %add3A_845 = arith.constant 32 : i32
          %add3A_846 = arith.addi %mul3A_816, %add3A_845 : i32
          %get3A_847 = arith.index_cast %add3A_846 : i32 to index
          %get3A_848 = tpu.vector_load %arg7[%get3A_847] {strides = array<i32>} : memref<1584xf32, #tpu.memory_space<vmem>>, vector<16xf32>,
          %get3A_849 = vector.shape_cast %get3A_848 : vector<16xf32> to vector<16xf32>
          %add3A_850 = arith.addf %get3A_849, %broadcast_in_dim3A_596 : vector<16xf32>
          %add3A_851 = arith.constant 32 : i32
          %add3A_852 = arith.addi %mul3A_816, %add3A_851 : i32
          %swap3A_853 = arith.index_cast %add3A_852 : i32 to index
          %swap3A_854 = tpu.vector_load %arg7[%swap3A_853] {strides = array<i32>} : memref<1584xf32, #tpu.memory_space<vmem>>, vector<16xf32>,
          %swap3A_855 = vector.shape_cast %swap3A_854 : vector<16xf32> to vector<16xf32>
          %swap3A_856 = vector.shape_cast %add3A_850 : vector<16xf32> to vector<16xf32>
          tpu.vector_store %arg7[%swap3A_853], %swap3A_856 {strides = array<i32>} : memref<1584xf32, #tpu.memory_space<vmem>>, vector<16xf32>,
          %mul3A_857 = arith.constant 16 : i32
          %mul3A_858 = arith.muli %scan3A_614, %mul3A_857 : i32
          %add3A_859 = arith.constant 5 : i32
          %add3A_860 = arith.addi %mul3A_858, %add3A_859 : i32
          %slice3A_861 = vector.extract_strided_slice %get3A_618 {offsets = [5], sizes = [1], strides = [1]} : vector<16xi32> to vector<1xi32>
          %squeeze3A_862 = vector.extract %slice3A_861[0] : i32 from vector<1xi32>
          %mul3A_863 = arith.constant 48 : i32
          %mul3A_864 = arith.muli %squeeze3A_862, %mul3A_863 : i32
          %get3A_865 = arith.index_cast %mul3A_864 : i32 to index
          %get3A_866 = tpu.vector_load %arg7[%get3A_865] {strides = array<i32>} : memref<1584xf32, #tpu.memory_space<vmem>>, vector<16xf32>,
          %get3A_867 = vector.shape_cast %get3A_866 : vector<16xf32> to vector<16xf32>
          %get3A_868 = arith.index_cast %add3A_860 : i32 to index
          %get3A_869 = arith.constant 0 : index
          %get3A_870 = tpu.vector_load %arg5[%get3A_868, %get3A_869] {strides = array<i32>} : memref<400x32xf32, #tpu.memory_space<vmem>>, vector<1x16xf32>,
          %get3A_871 = vector.shape_cast %get3A_870 : vector<1x16xf32> to vector<16xf32>
          %add3A_872 = arith.addf %get3A_867, %get3A_871 : vector<16xf32>
          %swap3A_873 = arith.index_cast %mul3A_864 : i32 to index
          %swap3A_874 = tpu.vector_load %arg7[%swap3A_873] {strides = array<i32>} : memref<1584xf32, #tpu.memory_space<vmem>>, vector<16xf32>,
          %swap3A_875 = vector.shape_cast %swap3A_874 : vector<16xf32> to vector<16xf32>
          %swap3A_876 = vector.shape_cast %add3A_872 : vector<16xf32> to vector<16xf32>
          tpu.vector_store %arg7[%swap3A_873], %swap3A_876 {strides = array<i32>} : memref<1584xf32, #tpu.memory_space<vmem>>, vector<16xf32>,
          %add3A_877 = arith.constant 16 : i32
          %add3A_878 = arith.addi %mul3A_864, %add3A_877 : i32
          %get3A_879 = arith.index_cast %add3A_878 : i32 to index
          %get3A_880 = tpu.vector_load %arg7[%get3A_879] {strides = array<i32>} : memref<1584xf32, #tpu.memory_space<vmem>>, vector<16xf32>,
          %get3A_881 = vector.shape_cast %get3A_880 : vector<16xf32> to vector<16xf32>
          %get3A_882 = arith.index_cast %add3A_860 : i32 to index
          %get3A_883 = arith.constant 16 : index
          %get3A_884 = tpu.vector_load %arg5[%get3A_882, %get3A_883] {strides = array<i32>} : memref<400x32xf32, #tpu.memory_space<vmem>>, vector<1x16xf32>,
          %get3A_885 = vector.shape_cast %get3A_884 : vector<1x16xf32> to vector<16xf32>
          %add3A_886 = arith.addf %get3A_881, %get3A_885 : vector<16xf32>
          %add3A_887 = arith.constant 16 : i32
          %add3A_888 = arith.addi %mul3A_864, %add3A_887 : i32
          %swap3A_889 = arith.index_cast %add3A_888 : i32 to index
          %swap3A_890 = tpu.vector_load %arg7[%swap3A_889] {strides = array<i32>} : memref<1584xf32, #tpu.memory_space<vmem>>, vector<16xf32>,
          %swap3A_891 = vector.shape_cast %swap3A_890 : vector<16xf32> to vector<16xf32>
          %swap3A_892 = vector.shape_cast %add3A_886 : vector<16xf32> to vector<16xf32>
          tpu.vector_store %arg7[%swap3A_889], %swap3A_892 {strides = array<i32>} : memref<1584xf32, #tpu.memory_space<vmem>>, vector<16xf32>,
          %add3A_893 = arith.constant 32 : i32
          %add3A_894 = arith.addi %mul3A_864, %add3A_893 : i32
          %get3A_895 = arith.index_cast %add3A_894 : i32 to index
          %get3A_896 = tpu.vector_load %arg7[%get3A_895] {strides = array<i32>} : memref<1584xf32, #tpu.memory_space<vmem>>, vector<16xf32>,
          %get3A_897 = vector.shape_cast %get3A_896 : vector<16xf32> to vector<16xf32>
          %add3A_898 = arith.addf %get3A_897, %broadcast_in_dim3A_596 : vector<16xf32>
          %add3A_899 = arith.constant 32 : i32
          %add3A_900 = arith.addi %mul3A_864, %add3A_899 : i32
          %swap3A_901 = arith.index_cast %add3A_900 : i32 to index
          %swap3A_902 = tpu.vector_load %arg7[%swap3A_901] {strides = array<i32>} : memref<1584xf32, #tpu.memory_space<vmem>>, vector<16xf32>,
          %swap3A_903 = vector.shape_cast %swap3A_902 : vector<16xf32> to vector<16xf32>
          %swap3A_904 = vector.shape_cast %add3A_898 : vector<16xf32> to vector<16xf32>
          tpu.vector_store %arg7[%swap3A_901], %swap3A_904 {strides = array<i32>} : memref<1584xf32, #tpu.memory_space<vmem>>, vector<16xf32>,
          %mul3A_905 = arith.constant 16 : i32
          %mul3A_906 = arith.muli %scan3A_614, %mul3A_905 : i32
          %add3A_907 = arith.constant 6 : i32
          %add3A_908 = arith.addi %mul3A_906, %add3A_907 : i32
          %slice3A_909 = vector.extract_strided_slice %get3A_618 {offsets = [6], sizes = [1], strides = [1]} : vector<16xi32> to vector<1xi32>
          %squeeze3A_910 = vector.extract %slice3A_909[0] : i32 from vector<1xi32>
          %mul3A_911 = arith.constant 48 : i32
          %mul3A_912 = arith.muli %squeeze3A_910, %mul3A_911 : i32
          %get3A_913 = arith.index_cast %mul3A_912 : i32 to index
          %get3A_914 = tpu.vector_load %arg7[%get3A_913] {strides = array<i32>} : memref<1584xf32, #tpu.memory_space<vmem>>, vector<16xf32>,
          %get3A_915 = vector.shape_cast %get3A_914 : vector<16xf32> to vector<16xf32>
          %get3A_916 = arith.index_cast %add3A_908 : i32 to index
          %get3A_917 = arith.constant 0 : index
          %get3A_918 = tpu.vector_load %arg5[%get3A_916, %get3A_917] {strides = array<i32>} : memref<400x32xf32, #tpu.memory_space<vmem>>, vector<1x16xf32>,
          %get3A_919 = vector.shape_cast %get3A_918 : vector<1x16xf32> to vector<16xf32>
          %add3A_920 = arith.addf %get3A_915, %get3A_919 : vector<16xf32>
          %swap3A_921 = arith.index_cast %mul3A_912 : i32 to index
          %swap3A_922 = tpu.vector_load %arg7[%swap3A_921] {strides = array<i32>} : memref<1584xf32, #tpu.memory_space<vmem>>, vector<16xf32>,
          %swap3A_923 = vector.shape_cast %swap3A_922 : vector<16xf32> to vector<16xf32>
          %swap3A_924 = vector.shape_cast %add3A_920 : vector<16xf32> to vector<16xf32>
          tpu.vector_store %arg7[%swap3A_921], %swap3A_924 {strides = array<i32>} : memref<1584xf32, #tpu.memory_space<vmem>>, vector<16xf32>,
          %add3A_925 = arith.constant 16 : i32
          %add3A_926 = arith.addi %mul3A_912, %add3A_925 : i32
          %get3A_927 = arith.index_cast %add3A_926 : i32 to index
          %get3A_928 = tpu.vector_load %arg7[%get3A_927] {strides = array<i32>} : memref<1584xf32, #tpu.memory_space<vmem>>, vector<16xf32>,
          %get3A_929 = vector.shape_cast %get3A_928 : vector<16xf32> to vector<16xf32>
          %get3A_930 = arith.index_cast %add3A_908 : i32 to index
          %get3A_931 = arith.constant 16 : index
          %get3A_932 = tpu.vector_load %arg5[%get3A_930, %get3A_931] {strides = array<i32>} : memref<400x32xf32, #tpu.memory_space<vmem>>, vector<1x16xf32>,
          %get3A_933 = vector.shape_cast %get3A_932 : vector<1x16xf32> to vector<16xf32>
          %add3A_934 = arith.addf %get3A_929, %get3A_933 : vector<16xf32>
          %add3A_935 = arith.constant 16 : i32
          %add3A_936 = arith.addi %mul3A_912, %add3A_935 : i32
          %swap3A_937 = arith.index_cast %add3A_936 : i32 to index
          %swap3A_938 = tpu.vector_load %arg7[%swap3A_937] {strides = array<i32>} : memref<1584xf32, #tpu.memory_space<vmem>>, vector<16xf32>,
          %swap3A_939 = vector.shape_cast %swap3A_938 : vector<16xf32> to vector<16xf32>
          %swap3A_940 = vector.shape_cast %add3A_934 : vector<16xf32> to vector<16xf32>
          tpu.vector_store %arg7[%swap3A_937], %swap3A_940 {strides = array<i32>} : memref<1584xf32, #tpu.memory_space<vmem>>, vector<16xf32>,
          %add3A_941 = arith.constant 32 : i32
          %add3A_942 = arith.addi %mul3A_912, %add3A_941 : i32
          %get3A_943 = arith.index_cast %add3A_942 : i32 to index
          %get3A_944 = tpu.vector_load %arg7[%get3A_943] {strides = array<i32>} : memref<1584xf32, #tpu.memory_space<vmem>>, vector<16xf32>,
          %get3A_945 = vector.shape_cast %get3A_944 : vector<16xf32> to vector<16xf32>
          %add3A_946 = arith.addf %get3A_945, %broadcast_in_dim3A_596 : vector<16xf32>
          %add3A_947 = arith.constant 32 : i32
          %add3A_948 = arith.addi %mul3A_912, %add3A_947 : i32
          %swap3A_949 = arith.index_cast %add3A_948 : i32 to index
          %swap3A_950 = tpu.vector_load %arg7[%swap3A_949] {strides = array<i32>} : memref<1584xf32, #tpu.memory_space<vmem>>, vector<16xf32>,
          %swap3A_951 = vector.shape_cast %swap3A_950 : vector<16xf32> to vector<16xf32>
          %swap3A_952 = vector.shape_cast %add3A_946 : vector<16xf32> to vector<16xf32>
          tpu.vector_store %arg7[%swap3A_949], %swap3A_952 {strides = array<i32>} : memref<1584xf32, #tpu.memory_space<vmem>>, vector<16xf32>,
          %mul3A_953 = arith.constant 16 : i32
          %mul3A_954 = arith.muli %scan3A_614, %mul3A_953 : i32
          %add3A_955 = arith.constant 7 : i32
          %add3A_956 = arith.addi %mul3A_954, %add3A_955 : i32
          %slice3A_957 = vector.extract_strided_slice %get3A_618 {offsets = [7], sizes = [1], strides = [1]} : vector<16xi32> to vector<1xi32>
          %squeeze3A_958 = vector.extract %slice3A_957[0] : i32 from vector<1xi32>
          %mul3A_959 = arith.constant 48 : i32
          %mul3A_960 = arith.muli %squeeze3A_958, %mul3A_959 : i32
          %get3A_961 = arith.index_cast %mul3A_960 : i32 to index
          %get3A_962 = tpu.vector_load %arg7[%get3A_961] {strides = array<i32>} : memref<1584xf32, #tpu.memory_space<vmem>>, vector<16xf32>,
          %get3A_963 = vector.shape_cast %get3A_962 : vector<16xf32> to vector<16xf32>
          %get3A_964 = arith.index_cast %add3A_956 : i32 to index
          %get3A_965 = arith.constant 0 : index
          %get3A_966 = tpu.vector_load %arg5[%get3A_964, %get3A_965] {strides = array<i32>} : memref<400x32xf32, #tpu.memory_space<vmem>>, vector<1x16xf32>,
          %get3A_967 = vector.shape_cast %get3A_966 : vector<1x16xf32> to vector<16xf32>
          %add3A_968 = arith.addf %get3A_963, %get3A_967 : vector<16xf32>
          %swap3A_969 = arith.index_cast %mul3A_960 : i32 to index
          %swap3A_970 = tpu.vector_load %arg7[%swap3A_969] {strides = array<i32>} : memref<1584xf32, #tpu.memory_space<vmem>>, vector<16xf32>,
          %swap3A_971 = vector.shape_cast %swap3A_970 : vector<16xf32> to vector<16xf32>
          %swap3A_972 = vector.shape_cast %add3A_968 : vector<16xf32> to vector<16xf32>
          tpu.vector_store %arg7[%swap3A_969], %swap3A_972 {strides = array<i32>} : memref<1584xf32, #tpu.memory_space<vmem>>, vector<16xf32>,
          %add3A_973 = arith.constant 16 : i32
          %add3A_974 = arith.addi %mul3A_960, %add3A_973 : i32
          %get3A_975 = arith.index_cast %add3A_974 : i32 to index
          %get3A_976 = tpu.vector_load %arg7[%get3A_975] {strides = array<i32>} : memref<1584xf32, #tpu.memory_space<vmem>>, vector<16xf32>,
          %get3A_977 = vector.shape_cast %get3A_976 : vector<16xf32> to vector<16xf32>
          %get3A_978 = arith.index_cast %add3A_956 : i32 to index
          %get3A_979 = arith.constant 16 : index
          %get3A_980 = tpu.vector_load %arg5[%get3A_978, %get3A_979] {strides = array<i32>} : memref<400x32xf32, #tpu.memory_space<vmem>>, vector<1x16xf32>,
          %get3A_981 = vector.shape_cast %get3A_980 : vector<1x16xf32> to vector<16xf32>
          %add3A_982 = arith.addf %get3A_977, %get3A_981 : vector<16xf32>
          %add3A_983 = arith.constant 16 : i32
          %add3A_984 = arith.addi %mul3A_960, %add3A_983 : i32
          %swap3A_985 = arith.index_cast %add3A_984 : i32 to index
          %swap3A_986 = tpu.vector_load %arg7[%swap3A_985] {strides = array<i32>} : memref<1584xf32, #tpu.memory_space<vmem>>, vector<16xf32>,
          %swap3A_987 = vector.shape_cast %swap3A_986 : vector<16xf32> to vector<16xf32>
          %swap3A_988 = vector.shape_cast %add3A_982 : vector<16xf32> to vector<16xf32>
          tpu.vector_store %arg7[%swap3A_985], %swap3A_988 {strides = array<i32>} : memref<1584xf32, #tpu.memory_space<vmem>>, vector<16xf32>,
          %add3A_989 = arith.constant 32 : i32
          %add3A_990 = arith.addi %mul3A_960, %add3A_989 : i32
          %get3A_991 = arith.index_cast %add3A_990 : i32 to index
          %get3A_992 = tpu.vector_load %arg7[%get3A_991] {strides = array<i32>} : memref<1584xf32, #tpu.memory_space<vmem>>, vector<16xf32>,
          %get3A_993 = vector.shape_cast %get3A_992 : vector<16xf32> to vector<16xf32>
          %add3A_994 = arith.addf %get3A_993, %broadcast_in_dim3A_596 : vector<16xf32>
          %add3A_995 = arith.constant 32 : i32
          %add3A_996 = arith.addi %mul3A_960, %add3A_995 : i32
          %swap3A_997 = arith.index_cast %add3A_996 : i32 to index
          %swap3A_998 = tpu.vector_load %arg7[%swap3A_997] {strides = array<i32>} : memref<1584xf32, #tpu.memory_space<vmem>>, vector<16xf32>,
          %swap3A_999 = vector.shape_cast %swap3A_998 : vector<16xf32> to vector<16xf32>
          %swap3A_1000 = vector.shape_cast %add3A_994 : vector<16xf32> to vector<16xf32>
          tpu.vector_store %arg7[%swap3A_997], %swap3A_1000 {strides = array<i32>} : memref<1584xf32, #tpu.memory_space<vmem>>, vector<16xf32>,
          %mul3A_1001 = arith.constant 16 : i32
          %mul3A_1002 = arith.muli %scan3A_614, %mul3A_1001 : i32
          %add3A_1003 = arith.constant 8 : i32
          %add3A_1004 = arith.addi %mul3A_1002, %add3A_1003 : i32
          %slice3A_1005 = vector.extract_strided_slice %get3A_618 {offsets = [8], sizes = [1], strides = [1]} : vector<16xi32> to vector<1xi32>
          %squeeze3A_1006 = vector.extract %slice3A_1005[0] : i32 from vector<1xi32>
          %mul3A_1007 = arith.constant 48 : i32
          %mul3A_1008 = arith.muli %squeeze3A_1006, %mul3A_1007 : i32
          %get3A_1009 = arith.index_cast %mul3A_1008 : i32 to index
          %get3A_1010 = tpu.vector_load %arg7[%get3A_1009] {strides = array<i32>} : memref<1584xf32, #tpu.memory_space<vmem>>, vector<16xf32>,
          %get3A_1011 = vector.shape_cast %get3A_1010 : vector<16xf32> to vector<16xf32>
          %get3A_1012 = arith.index_cast %add3A_1004 : i32 to index
          %get3A_1013 = arith.constant 0 : index
          %get3A_1014 = tpu.vector_load %arg5[%get3A_1012, %get3A_1013] {strides = array<i32>} : memref<400x32xf32, #tpu.memory_space<vmem>>, vector<1x16xf32>,
          %get3A_1015 = vector.shape_cast %get3A_1014 : vector<1x16xf32> to vector<16xf32>
          %add3A_1016 = arith.addf %get3A_1011, %get3A_1015 : vector<16xf32>
          %swap3A_1017 = arith.index_cast %mul3A_1008 : i32 to index
          %swap3A_1018 = tpu.vector_load %arg7[%swap3A_1017] {strides = array<i32>} : memref<1584xf32, #tpu.memory_space<vmem>>, vector<16xf32>,
          %swap3A_1019 = vector.shape_cast %swap3A_1018 : vector<16xf32> to vector<16xf32>
          %swap3A_1020 = vector.shape_cast %add3A_1016 : vector<16xf32> to vector<16xf32>
          tpu.vector_store %arg7[%swap3A_1017], %swap3A_1020 {strides = array<i32>} : memref<1584xf32, #tpu.memory_space<vmem>>, vector<16xf32>,
          %add3A_1021 = arith.constant 16 : i32
          %add3A_1022 = arith.addi %mul3A_1008, %add3A_1021 : i32
          %get3A_1023 = arith.index_cast %add3A_1022 : i32 to index
          %get3A_1024 = tpu.vector_load %arg7[%get3A_1023] {strides = array<i32>} : memref<1584xf32, #tpu.memory_space<vmem>>, vector<16xf32>,
          %get3A_1025 = vector.shape_cast %get3A_1024 : vector<16xf32> to vector<16xf32>
          %get3A_1026 = arith.index_cast %add3A_1004 : i32 to index
          %get3A_1027 = arith.constant 16 : index
          %get3A_1028 = tpu.vector_load %arg5[%get3A_1026, %get3A_1027] {strides = array<i32>} : memref<400x32xf32, #tpu.memory_space<vmem>>, vector<1x16xf32>,
          %get3A_1029 = vector.shape_cast %get3A_1028 : vector<1x16xf32> to vector<16xf32>
          %add3A_1030 = arith.addf %get3A_1025, %get3A_1029 : vector<16xf32>
          %add3A_1031 = arith.constant 16 : i32
          %add3A_1032 = arith.addi %mul3A_1008, %add3A_1031 : i32
          %swap3A_1033 = arith.index_cast %add3A_1032 : i32 to index
          %swap3A_1034 = tpu.vector_load %arg7[%swap3A_1033] {strides = array<i32>} : memref<1584xf32, #tpu.memory_space<vmem>>, vector<16xf32>,
          %swap3A_1035 = vector.shape_cast %swap3A_1034 : vector<16xf32> to vector<16xf32>
          %swap3A_1036 = vector.shape_cast %add3A_1030 : vector<16xf32> to vector<16xf32>
          tpu.vector_store %arg7[%swap3A_1033], %swap3A_1036 {strides = array<i32>} : memref<1584xf32, #tpu.memory_space<vmem>>, vector<16xf32>,
          %add3A_1037 = arith.constant 32 : i32
          %add3A_1038 = arith.addi %mul3A_1008, %add3A_1037 : i32
          %get3A_1039 = arith.index_cast %add3A_1038 : i32 to index
          %get3A_1040 = tpu.vector_load %arg7[%get3A_1039] {strides = array<i32>} : memref<1584xf32, #tpu.memory_space<vmem>>, vector<16xf32>,
          %get3A_1041 = vector.shape_cast %get3A_1040 : vector<16xf32> to vector<16xf32>
          %add3A_1042 = arith.addf %get3A_1041, %broadcast_in_dim3A_596 : vector<16xf32>
          %add3A_1043 = arith.constant 32 : i32
          %add3A_1044 = arith.addi %mul3A_1008, %add3A_1043 : i32
          %swap3A_1045 = arith.index_cast %add3A_1044 : i32 to index
          %swap3A_1046 = tpu.vector_load %arg7[%swap3A_1045] {strides = array<i32>} : memref<1584xf32, #tpu.memory_space<vmem>>, vector<16xf32>,
          %swap3A_1047 = vector.shape_cast %swap3A_1046 : vector<16xf32> to vector<16xf32>
          %swap3A_1048 = vector.shape_cast %add3A_1042 : vector<16xf32> to vector<16xf32>
          tpu.vector_store %arg7[%swap3A_1045], %swap3A_1048 {strides = array<i32>} : memref<1584xf32, #tpu.memory_space<vmem>>, vector<16xf32>,
          %mul3A_1049 = arith.constant 16 : i32
          %mul3A_1050 = arith.muli %scan3A_614, %mul3A_1049 : i32
          %add3A_1051 = arith.constant 9 : i32
          %add3A_1052 = arith.addi %mul3A_1050, %add3A_1051 : i32
          %slice3A_1053 = vector.extract_strided_slice %get3A_618 {offsets = [9], sizes = [1], strides = [1]} : vector<16xi32> to vector<1xi32>
          %squeeze3A_1054 = vector.extract %slice3A_1053[0] : i32 from vector<1xi32>
          %mul3A_1055 = arith.constant 48 : i32
          %mul3A_1056 = arith.muli %squeeze3A_1054, %mul3A_1055 : i32
          %get3A_1057 = arith.index_cast %mul3A_1056 : i32 to index
          %get3A_1058 = tpu.vector_load %arg7[%get3A_1057] {strides = array<i32>} : memref<1584xf32, #tpu.memory_space<vmem>>, vector<16xf32>,
          %get3A_1059 = vector.shape_cast %get3A_1058 : vector<16xf32> to vector<16xf32>
          %get3A_1060 = arith.index_cast %add3A_1052 : i32 to index
          %get3A_1061 = arith.constant 0 : index
          %get3A_1062 = tpu.vector_load %arg5[%get3A_1060, %get3A_1061] {strides = array<i32>} : memref<400x32xf32, #tpu.memory_space<vmem>>, vector<1x16xf32>,
          %get3A_1063 = vector.shape_cast %get3A_1062 : vector<1x16xf32> to vector<16xf32>
          %add3A_1064 = arith.addf %get3A_1059, %get3A_1063 : vector<16xf32>
          %swap3A_1065 = arith.index_cast %mul3A_1056 : i32 to index
          %swap3A_1066 = tpu.vector_load %arg7[%swap3A_1065] {strides = array<i32>} : memref<1584xf32, #tpu.memory_space<vmem>>, vector<16xf32>,
          %swap3A_1067 = vector.shape_cast %swap3A_1066 : vector<16xf32> to vector<16xf32>
          %swap3A_1068 = vector.shape_cast %add3A_1064 : vector<16xf32> to vector<16xf32>
          tpu.vector_store %arg7[%swap3A_1065], %swap3A_1068 {strides = array<i32>} : memref<1584xf32, #tpu.memory_space<vmem>>, vector<16xf32>,
          %add3A_1069 = arith.constant 16 : i32
          %add3A_1070 = arith.addi %mul3A_1056, %add3A_1069 : i32
          %get3A_1071 = arith.index_cast %add3A_1070 : i32 to index
          %get3A_1072 = tpu.vector_load %arg7[%get3A_1071] {strides = array<i32>} : memref<1584xf32, #tpu.memory_space<vmem>>, vector<16xf32>,
          %get3A_1073 = vector.shape_cast %get3A_1072 : vector<16xf32> to vector<16xf32>
          %get3A_1074 = arith.index_cast %add3A_1052 : i32 to index
          %get3A_1075 = arith.constant 16 : index
          %get3A_1076 = tpu.vector_load %arg5[%get3A_1074, %get3A_1075] {strides = array<i32>} : memref<400x32xf32, #tpu.memory_space<vmem>>, vector<1x16xf32>,
          %get3A_1077 = vector.shape_cast %get3A_1076 : vector<1x16xf32> to vector<16xf32>
          %add3A_1078 = arith.addf %get3A_1073, %get3A_1077 : vector<16xf32>
          %add3A_1079 = arith.constant 16 : i32
          %add3A_1080 = arith.addi %mul3A_1056, %add3A_1079 : i32
          %swap3A_1081 = arith.index_cast %add3A_1080 : i32 to index
          %swap3A_1082 = tpu.vector_load %arg7[%swap3A_1081] {strides = array<i32>} : memref<1584xf32, #tpu.memory_space<vmem>>, vector<16xf32>,
          %swap3A_1083 = vector.shape_cast %swap3A_1082 : vector<16xf32> to vector<16xf32>
          %swap3A_1084 = vector.shape_cast %add3A_1078 : vector<16xf32> to vector<16xf32>
          tpu.vector_store %arg7[%swap3A_1081], %swap3A_1084 {strides = array<i32>} : memref<1584xf32, #tpu.memory_space<vmem>>, vector<16xf32>,
          %add3A_1085 = arith.constant 32 : i32
          %add3A_1086 = arith.addi %mul3A_1056, %add3A_1085 : i32
          %get3A_1087 = arith.index_cast %add3A_1086 : i32 to index
          %get3A_1088 = tpu.vector_load %arg7[%get3A_1087] {strides = array<i32>} : memref<1584xf32, #tpu.memory_space<vmem>>, vector<16xf32>,
          %get3A_1089 = vector.shape_cast %get3A_1088 : vector<16xf32> to vector<16xf32>
          %add3A_1090 = arith.addf %get3A_1089, %broadcast_in_dim3A_596 : vector<16xf32>
          %add3A_1091 = arith.constant 32 : i32
          %add3A_1092 = arith.addi %mul3A_1056, %add3A_1091 : i32
          %swap3A_1093 = arith.index_cast %add3A_1092 : i32 to index
          %swap3A_1094 = tpu.vector_load %arg7[%swap3A_1093] {strides = array<i32>} : memref<1584xf32, #tpu.memory_space<vmem>>, vector<16xf32>,
          %swap3A_1095 = vector.shape_cast %swap3A_1094 : vector<16xf32> to vector<16xf32>
          %swap3A_1096 = vector.shape_cast %add3A_1090 : vector<16xf32> to vector<16xf32>
          tpu.vector_store %arg7[%swap3A_1093], %swap3A_1096 {strides = array<i32>} : memref<1584xf32, #tpu.memory_space<vmem>>, vector<16xf32>,
          %mul3A_1097 = arith.constant 16 : i32
          %mul3A_1098 = arith.muli %scan3A_614, %mul3A_1097 : i32
          %add3A_1099 = arith.constant 10 : i32
          %add3A_1100 = arith.addi %mul3A_1098, %add3A_1099 : i32
          %slice3A_1101 = vector.extract_strided_slice %get3A_618 {offsets = [10], sizes = [1], strides = [1]} : vector<16xi32> to vector<1xi32>
          %squeeze3A_1102 = vector.extract %slice3A_1101[0] : i32 from vector<1xi32>
          %mul3A_1103 = arith.constant 48 : i32
          %mul3A_1104 = arith.muli %squeeze3A_1102, %mul3A_1103 : i32
          %get3A_1105 = arith.index_cast %mul3A_1104 : i32 to index
          %get3A_1106 = tpu.vector_load %arg7[%get3A_1105] {strides = array<i32>} : memref<1584xf32, #tpu.memory_space<vmem>>, vector<16xf32>,
          %get3A_1107 = vector.shape_cast %get3A_1106 : vector<16xf32> to vector<16xf32>
          %get3A_1108 = arith.index_cast %add3A_1100 : i32 to index
          %get3A_1109 = arith.constant 0 : index
          %get3A_1110 = tpu.vector_load %arg5[%get3A_1108, %get3A_1109] {strides = array<i32>} : memref<400x32xf32, #tpu.memory_space<vmem>>, vector<1x16xf32>,
          %get3A_1111 = vector.shape_cast %get3A_1110 : vector<1x16xf32> to vector<16xf32>
          %add3A_1112 = arith.addf %get3A_1107, %get3A_1111 : vector<16xf32>
          %swap3A_1113 = arith.index_cast %mul3A_1104 : i32 to index
          %swap3A_1114 = tpu.vector_load %arg7[%swap3A_1113] {strides = array<i32>} : memref<1584xf32, #tpu.memory_space<vmem>>, vector<16xf32>,
          %swap3A_1115 = vector.shape_cast %swap3A_1114 : vector<16xf32> to vector<16xf32>
          %swap3A_1116 = vector.shape_cast %add3A_1112 : vector<16xf32> to vector<16xf32>
          tpu.vector_store %arg7[%swap3A_1113], %swap3A_1116 {strides = array<i32>} : memref<1584xf32, #tpu.memory_space<vmem>>, vector<16xf32>,
          %add3A_1117 = arith.constant 16 : i32
          %add3A_1118 = arith.addi %mul3A_1104, %add3A_1117 : i32
          %get3A_1119 = arith.index_cast %add3A_1118 : i32 to index
          %get3A_1120 = tpu.vector_load %arg7[%get3A_1119] {strides = array<i32>} : memref<1584xf32, #tpu.memory_space<vmem>>, vector<16xf32>,
          %get3A_1121 = vector.shape_cast %get3A_1120 : vector<16xf32> to vector<16xf32>
          %get3A_1122 = arith.index_cast %add3A_1100 : i32 to index
          %get3A_1123 = arith.constant 16 : index
          %get3A_1124 = tpu.vector_load %arg5[%get3A_1122, %get3A_1123] {strides = array<i32>} : memref<400x32xf32, #tpu.memory_space<vmem>>, vector<1x16xf32>,
          %get3A_1125 = vector.shape_cast %get3A_1124 : vector<1x16xf32> to vector<16xf32>
          %add3A_1126 = arith.addf %get3A_1121, %get3A_1125 : vector<16xf32>
          %add3A_1127 = arith.constant 16 : i32
          %add3A_1128 = arith.addi %mul3A_1104, %add3A_1127 : i32
          %swap3A_1129 = arith.index_cast %add3A_1128 : i32 to index
          %swap3A_1130 = tpu.vector_load %arg7[%swap3A_1129] {strides = array<i32>} : memref<1584xf32, #tpu.memory_space<vmem>>, vector<16xf32>,
          %swap3A_1131 = vector.shape_cast %swap3A_1130 : vector<16xf32> to vector<16xf32>
          %swap3A_1132 = vector.shape_cast %add3A_1126 : vector<16xf32> to vector<16xf32>
          tpu.vector_store %arg7[%swap3A_1129], %swap3A_1132 {strides = array<i32>} : memref<1584xf32, #tpu.memory_space<vmem>>, vector<16xf32>,
          %add3A_1133 = arith.constant 32 : i32
          %add3A_1134 = arith.addi %mul3A_1104, %add3A_1133 : i32
          %get3A_1135 = arith.index_cast %add3A_1134 : i32 to index
          %get3A_1136 = tpu.vector_load %arg7[%get3A_1135] {strides = array<i32>} : memref<1584xf32, #tpu.memory_space<vmem>>, vector<16xf32>,
          %get3A_1137 = vector.shape_cast %get3A_1136 : vector<16xf32> to vector<16xf32>
          %add3A_1138 = arith.addf %get3A_1137, %broadcast_in_dim3A_596 : vector<16xf32>
          %add3A_1139 = arith.constant 32 : i32
          %add3A_1140 = arith.addi %mul3A_1104, %add3A_1139 : i32
          %swap3A_1141 = arith.index_cast %add3A_1140 : i32 to index
          %swap3A_1142 = tpu.vector_load %arg7[%swap3A_1141] {strides = array<i32>} : memref<1584xf32, #tpu.memory_space<vmem>>, vector<16xf32>,
          %swap3A_1143 = vector.shape_cast %swap3A_1142 : vector<16xf32> to vector<16xf32>
          %swap3A_1144 = vector.shape_cast %add3A_1138 : vector<16xf32> to vector<16xf32>
          tpu.vector_store %arg7[%swap3A_1141], %swap3A_1144 {strides = array<i32>} : memref<1584xf32, #tpu.memory_space<vmem>>, vector<16xf32>,
          %mul3A_1145 = arith.constant 16 : i32
          %mul3A_1146 = arith.muli %scan3A_614, %mul3A_1145 : i32
          %add3A_1147 = arith.constant 11 : i32
          %add3A_1148 = arith.addi %mul3A_1146, %add3A_1147 : i32
          %slice3A_1149 = vector.extract_strided_slice %get3A_618 {offsets = [11], sizes = [1], strides = [1]} : vector<16xi32> to vector<1xi32>
          %squeeze3A_1150 = vector.extract %slice3A_1149[0] : i32 from vector<1xi32>
          %mul3A_1151 = arith.constant 48 : i32
          %mul3A_1152 = arith.muli %squeeze3A_1150, %mul3A_1151 : i32
          %get3A_1153 = arith.index_cast %mul3A_1152 : i32 to index
          %get3A_1154 = tpu.vector_load %arg7[%get3A_1153] {strides = array<i32>} : memref<1584xf32, #tpu.memory_space<vmem>>, vector<16xf32>,
          %get3A_1155 = vector.shape_cast %get3A_1154 : vector<16xf32> to vector<16xf32>
          %get3A_1156 = arith.index_cast %add3A_1148 : i32 to index
          %get3A_1157 = arith.constant 0 : index
          %get3A_1158 = tpu.vector_load %arg5[%get3A_1156, %get3A_1157] {strides = array<i32>} : memref<400x32xf32, #tpu.memory_space<vmem>>, vector<1x16xf32>,
          %get3A_1159 = vector.shape_cast %get3A_1158 : vector<1x16xf32> to vector<16xf32>
          %add3A_1160 = arith.addf %get3A_1155, %get3A_1159 : vector<16xf32>
          %swap3A_1161 = arith.index_cast %mul3A_1152 : i32 to index
          %swap3A_1162 = tpu.vector_load %arg7[%swap3A_1161] {strides = array<i32>} : memref<1584xf32, #tpu.memory_space<vmem>>, vector<16xf32>,
          %swap3A_1163 = vector.shape_cast %swap3A_1162 : vector<16xf32> to vector<16xf32>
          %swap3A_1164 = vector.shape_cast %add3A_1160 : vector<16xf32> to vector<16xf32>
          tpu.vector_store %arg7[%swap3A_1161], %swap3A_1164 {strides = array<i32>} : memref<1584xf32, #tpu.memory_space<vmem>>, vector<16xf32>,
          %add3A_1165 = arith.constant 16 : i32
          %add3A_1166 = arith.addi %mul3A_1152, %add3A_1165 : i32
          %get3A_1167 = arith.index_cast %add3A_1166 : i32 to index
          %get3A_1168 = tpu.vector_load %arg7[%get3A_1167] {strides = array<i32>} : memref<1584xf32, #tpu.memory_space<vmem>>, vector<16xf32>,
          %get3A_1169 = vector.shape_cast %get3A_1168 : vector<16xf32> to vector<16xf32>
          %get3A_1170 = arith.index_cast %add3A_1148 : i32 to index
          %get3A_1171 = arith.constant 16 : index
          %get3A_1172 = tpu.vector_load %arg5[%get3A_1170, %get3A_1171] {strides = array<i32>} : memref<400x32xf32, #tpu.memory_space<vmem>>, vector<1x16xf32>,
          %get3A_1173 = vector.shape_cast %get3A_1172 : vector<1x16xf32> to vector<16xf32>
          %add3A_1174 = arith.addf %get3A_1169, %get3A_1173 : vector<16xf32>
          %add3A_1175 = arith.constant 16 : i32
          %add3A_1176 = arith.addi %mul3A_1152, %add3A_1175 : i32
          %swap3A_1177 = arith.index_cast %add3A_1176 : i32 to index
          %swap3A_1178 = tpu.vector_load %arg7[%swap3A_1177] {strides = array<i32>} : memref<1584xf32, #tpu.memory_space<vmem>>, vector<16xf32>,
          %swap3A_1179 = vector.shape_cast %swap3A_1178 : vector<16xf32> to vector<16xf32>
          %swap3A_1180 = vector.shape_cast %add3A_1174 : vector<16xf32> to vector<16xf32>
          tpu.vector_store %arg7[%swap3A_1177], %swap3A_1180 {strides = array<i32>} : memref<1584xf32, #tpu.memory_space<vmem>>, vector<16xf32>,
          %add3A_1181 = arith.constant 32 : i32
          %add3A_1182 = arith.addi %mul3A_1152, %add3A_1181 : i32
          %get3A_1183 = arith.index_cast %add3A_1182 : i32 to index
          %get3A_1184 = tpu.vector_load %arg7[%get3A_1183] {strides = array<i32>} : memref<1584xf32, #tpu.memory_space<vmem>>, vector<16xf32>,
          %get3A_1185 = vector.shape_cast %get3A_1184 : vector<16xf32> to vector<16xf32>
          %add3A_1186 = arith.addf %get3A_1185, %broadcast_in_dim3A_596 : vector<16xf32>
          %add3A_1187 = arith.constant 32 : i32
          %add3A_1188 = arith.addi %mul3A_1152, %add3A_1187 : i32
          %swap3A_1189 = arith.index_cast %add3A_1188 : i32 to index
          %swap3A_1190 = tpu.vector_load %arg7[%swap3A_1189] {strides = array<i32>} : memref<1584xf32, #tpu.memory_space<vmem>>, vector<16xf32>,
          %swap3A_1191 = vector.shape_cast %swap3A_1190 : vector<16xf32> to vector<16xf32>
          %swap3A_1192 = vector.shape_cast %add3A_1186 : vector<16xf32> to vector<16xf32>
          tpu.vector_store %arg7[%swap3A_1189], %swap3A_1192 {strides = array<i32>} : memref<1584xf32, #tpu.memory_space<vmem>>, vector<16xf32>,
          %mul3A_1193 = arith.constant 16 : i32
          %mul3A_1194 = arith.muli %scan3A_614, %mul3A_1193 : i32
          %add3A_1195 = arith.constant 12 : i32
          %add3A_1196 = arith.addi %mul3A_1194, %add3A_1195 : i32
          %slice3A_1197 = vector.extract_strided_slice %get3A_618 {offsets = [12], sizes = [1], strides = [1]} : vector<16xi32> to vector<1xi32>
          %squeeze3A_1198 = vector.extract %slice3A_1197[0] : i32 from vector<1xi32>
          %mul3A_1199 = arith.constant 48 : i32
          %mul3A_1200 = arith.muli %squeeze3A_1198, %mul3A_1199 : i32
          %get3A_1201 = arith.index_cast %mul3A_1200 : i32 to index
          %get3A_1202 = tpu.vector_load %arg7[%get3A_1201] {strides = array<i32>} : memref<1584xf32, #tpu.memory_space<vmem>>, vector<16xf32>,
          %get3A_1203 = vector.shape_cast %get3A_1202 : vector<16xf32> to vector<16xf32>
          %get3A_1204 = arith.index_cast %add3A_1196 : i32 to index
          %get3A_1205 = arith.constant 0 : index
          %get3A_1206 = tpu.vector_load %arg5[%get3A_1204, %get3A_1205] {strides = array<i32>} : memref<400x32xf32, #tpu.memory_space<vmem>>, vector<1x16xf32>,
          %get3A_1207 = vector.shape_cast %get3A_1206 : vector<1x16xf32> to vector<16xf32>
          %add3A_1208 = arith.addf %get3A_1203, %get3A_1207 : vector<16xf32>
          %swap3A_1209 = arith.index_cast %mul3A_1200 : i32 to index
          %swap3A_1210 = tpu.vector_load %arg7[%swap3A_1209] {strides = array<i32>} : memref<1584xf32, #tpu.memory_space<vmem>>, vector<16xf32>,
          %swap3A_1211 = vector.shape_cast %swap3A_1210 : vector<16xf32> to vector<16xf32>
          %swap3A_1212 = vector.shape_cast %add3A_1208 : vector<16xf32> to vector<16xf32>
          tpu.vector_store %arg7[%swap3A_1209], %swap3A_1212 {strides = array<i32>} : memref<1584xf32, #tpu.memory_space<vmem>>, vector<16xf32>,
          %add3A_1213 = arith.constant 16 : i32
          %add3A_1214 = arith.addi %mul3A_1200, %add3A_1213 : i32
          %get3A_1215 = arith.index_cast %add3A_1214 : i32 to index
          %get3A_1216 = tpu.vector_load %arg7[%get3A_1215] {strides = array<i32>} : memref<1584xf32, #tpu.memory_space<vmem>>, vector<16xf32>,
          %get3A_1217 = vector.shape_cast %get3A_1216 : vector<16xf32> to vector<16xf32>
          %get3A_1218 = arith.index_cast %add3A_1196 : i32 to index
          %get3A_1219 = arith.constant 16 : index
          %get3A_1220 = tpu.vector_load %arg5[%get3A_1218, %get3A_1219] {strides = array<i32>} : memref<400x32xf32, #tpu.memory_space<vmem>>, vector<1x16xf32>,
          %get3A_1221 = vector.shape_cast %get3A_1220 : vector<1x16xf32> to vector<16xf32>
          %add3A_1222 = arith.addf %get3A_1217, %get3A_1221 : vector<16xf32>
          %add3A_1223 = arith.constant 16 : i32
          %add3A_1224 = arith.addi %mul3A_1200, %add3A_1223 : i32
          %swap3A_1225 = arith.index_cast %add3A_1224 : i32 to index
          %swap3A_1226 = tpu.vector_load %arg7[%swap3A_1225] {strides = array<i32>} : memref<1584xf32, #tpu.memory_space<vmem>>, vector<16xf32>,
          %swap3A_1227 = vector.shape_cast %swap3A_1226 : vector<16xf32> to vector<16xf32>
          %swap3A_1228 = vector.shape_cast %add3A_1222 : vector<16xf32> to vector<16xf32>
          tpu.vector_store %arg7[%swap3A_1225], %swap3A_1228 {strides = array<i32>} : memref<1584xf32, #tpu.memory_space<vmem>>, vector<16xf32>,
          %add3A_1229 = arith.constant 32 : i32
          %add3A_1230 = arith.addi %mul3A_1200, %add3A_1229 : i32
          %get3A_1231 = arith.index_cast %add3A_1230 : i32 to index
          %get3A_1232 = tpu.vector_load %arg7[%get3A_1231] {strides = array<i32>} : memref<1584xf32, #tpu.memory_space<vmem>>, vector<16xf32>,
          %get3A_1233 = vector.shape_cast %get3A_1232 : vector<16xf32> to vector<16xf32>
          %add3A_1234 = arith.addf %get3A_1233, %broadcast_in_dim3A_596 : vector<16xf32>
          %add3A_1235 = arith.constant 32 : i32
          %add3A_1236 = arith.addi %mul3A_1200, %add3A_1235 : i32
          %swap3A_1237 = arith.index_cast %add3A_1236 : i32 to index
          %swap3A_1238 = tpu.vector_load %arg7[%swap3A_1237] {strides = array<i32>} : memref<1584xf32, #tpu.memory_space<vmem>>, vector<16xf32>,
          %swap3A_1239 = vector.shape_cast %swap3A_1238 : vector<16xf32> to vector<16xf32>
          %swap3A_1240 = vector.shape_cast %add3A_1234 : vector<16xf32> to vector<16xf32>
          tpu.vector_store %arg7[%swap3A_1237], %swap3A_1240 {strides = array<i32>} : memref<1584xf32, #tpu.memory_space<vmem>>, vector<16xf32>,
          %mul3A_1241 = arith.constant 16 : i32
          %mul3A_1242 = arith.muli %scan3A_614, %mul3A_1241 : i32
          %add3A_1243 = arith.constant 13 : i32
          %add3A_1244 = arith.addi %mul3A_1242, %add3A_1243 : i32
          %slice3A_1245 = vector.extract_strided_slice %get3A_618 {offsets = [13], sizes = [1], strides = [1]} : vector<16xi32> to vector<1xi32>
          %squeeze3A_1246 = vector.extract %slice3A_1245[0] : i32 from vector<1xi32>
          %mul3A_1247 = arith.constant 48 : i32
          %mul3A_1248 = arith.muli %squeeze3A_1246, %mul3A_1247 : i32
          %get3A_1249 = arith.index_cast %mul3A_1248 : i32 to index
          %get3A_1250 = tpu.vector_load %arg7[%get3A_1249] {strides = array<i32>} : memref<1584xf32, #tpu.memory_space<vmem>>, vector<16xf32>,
          %get3A_1251 = vector.shape_cast %get3A_1250 : vector<16xf32> to vector<16xf32>
          %get3A_1252 = arith.index_cast %add3A_1244 : i32 to index
          %get3A_1253 = arith.constant 0 : index
          %get3A_1254 = tpu.vector_load %arg5[%get3A_1252, %get3A_1253] {strides = array<i32>} : memref<400x32xf32, #tpu.memory_space<vmem>>, vector<1x16xf32>,
          %get3A_1255 = vector.shape_cast %get3A_1254 : vector<1x16xf32> to vector<16xf32>
          %add3A_1256 = arith.addf %get3A_1251, %get3A_1255 : vector<16xf32>
          %swap3A_1257 = arith.index_cast %mul3A_1248 : i32 to index
          %swap3A_1258 = tpu.vector_load %arg7[%swap3A_1257] {strides = array<i32>} : memref<1584xf32, #tpu.memory_space<vmem>>, vector<16xf32>,
          %swap3A_1259 = vector.shape_cast %swap3A_1258 : vector<16xf32> to vector<16xf32>
          %swap3A_1260 = vector.shape_cast %add3A_1256 : vector<16xf32> to vector<16xf32>
          tpu.vector_store %arg7[%swap3A_1257], %swap3A_1260 {strides = array<i32>} : memref<1584xf32, #tpu.memory_space<vmem>>, vector<16xf32>,
          %add3A_1261 = arith.constant 16 : i32
          %add3A_1262 = arith.addi %mul3A_1248, %add3A_1261 : i32
          %get3A_1263 = arith.index_cast %add3A_1262 : i32 to index
          %get3A_1264 = tpu.vector_load %arg7[%get3A_1263] {strides = array<i32>} : memref<1584xf32, #tpu.memory_space<vmem>>, vector<16xf32>,
          %get3A_1265 = vector.shape_cast %get3A_1264 : vector<16xf32> to vector<16xf32>
          %get3A_1266 = arith.index_cast %add3A_1244 : i32 to index
          %get3A_1267 = arith.constant 16 : index
          %get3A_1268 = tpu.vector_load %arg5[%get3A_1266, %get3A_1267] {strides = array<i32>} : memref<400x32xf32, #tpu.memory_space<vmem>>, vector<1x16xf32>,
          %get3A_1269 = vector.shape_cast %get3A_1268 : vector<1x16xf32> to vector<16xf32>
          %add3A_1270 = arith.addf %get3A_1265, %get3A_1269 : vector<16xf32>
          %add3A_1271 = arith.constant 16 : i32
          %add3A_1272 = arith.addi %mul3A_1248, %add3A_1271 : i32
          %swap3A_1273 = arith.index_cast %add3A_1272 : i32 to index
          %swap3A_1274 = tpu.vector_load %arg7[%swap3A_1273] {strides = array<i32>} : memref<1584xf32, #tpu.memory_space<vmem>>, vector<16xf32>,
          %swap3A_1275 = vector.shape_cast %swap3A_1274 : vector<16xf32> to vector<16xf32>
          %swap3A_1276 = vector.shape_cast %add3A_1270 : vector<16xf32> to vector<16xf32>
          tpu.vector_store %arg7[%swap3A_1273], %swap3A_1276 {strides = array<i32>} : memref<1584xf32, #tpu.memory_space<vmem>>, vector<16xf32>,
          %add3A_1277 = arith.constant 32 : i32
          %add3A_1278 = arith.addi %mul3A_1248, %add3A_1277 : i32
          %get3A_1279 = arith.index_cast %add3A_1278 : i32 to index
          %get3A_1280 = tpu.vector_load %arg7[%get3A_1279] {strides = array<i32>} : memref<1584xf32, #tpu.memory_space<vmem>>, vector<16xf32>,
          %get3A_1281 = vector.shape_cast %get3A_1280 : vector<16xf32> to vector<16xf32>
          %add3A_1282 = arith.addf %get3A_1281, %broadcast_in_dim3A_596 : vector<16xf32>
          %add3A_1283 = arith.constant 32 : i32
          %add3A_1284 = arith.addi %mul3A_1248, %add3A_1283 : i32
          %swap3A_1285 = arith.index_cast %add3A_1284 : i32 to index
          %swap3A_1286 = tpu.vector_load %arg7[%swap3A_1285] {strides = array<i32>} : memref<1584xf32, #tpu.memory_space<vmem>>, vector<16xf32>,
          %swap3A_1287 = vector.shape_cast %swap3A_1286 : vector<16xf32> to vector<16xf32>
          %swap3A_1288 = vector.shape_cast %add3A_1282 : vector<16xf32> to vector<16xf32>
          tpu.vector_store %arg7[%swap3A_1285], %swap3A_1288 {strides = array<i32>} : memref<1584xf32, #tpu.memory_space<vmem>>, vector<16xf32>,
          %mul3A_1289 = arith.constant 16 : i32
          %mul3A_1290 = arith.muli %scan3A_614, %mul3A_1289 : i32
          %add3A_1291 = arith.constant 14 : i32
          %add3A_1292 = arith.addi %mul3A_1290, %add3A_1291 : i32
          %slice3A_1293 = vector.extract_strided_slice %get3A_618 {offsets = [14], sizes = [1], strides = [1]} : vector<16xi32> to vector<1xi32>
          %squeeze3A_1294 = vector.extract %slice3A_1293[0] : i32 from vector<1xi32>
          %mul3A_1295 = arith.constant 48 : i32
          %mul3A_1296 = arith.muli %squeeze3A_1294, %mul3A_1295 : i32
          %get3A_1297 = arith.index_cast %mul3A_1296 : i32 to index
          %get3A_1298 = tpu.vector_load %arg7[%get3A_1297] {strides = array<i32>} : memref<1584xf32, #tpu.memory_space<vmem>>, vector<16xf32>,
          %get3A_1299 = vector.shape_cast %get3A_1298 : vector<16xf32> to vector<16xf32>
          %get3A_1300 = arith.index_cast %add3A_1292 : i32 to index
          %get3A_1301 = arith.constant 0 : index
          %get3A_1302 = tpu.vector_load %arg5[%get3A_1300, %get3A_1301] {strides = array<i32>} : memref<400x32xf32, #tpu.memory_space<vmem>>, vector<1x16xf32>,
          %get3A_1303 = vector.shape_cast %get3A_1302 : vector<1x16xf32> to vector<16xf32>
          %add3A_1304 = arith.addf %get3A_1299, %get3A_1303 : vector<16xf32>
          %swap3A_1305 = arith.index_cast %mul3A_1296 : i32 to index
          %swap3A_1306 = tpu.vector_load %arg7[%swap3A_1305] {strides = array<i32>} : memref<1584xf32, #tpu.memory_space<vmem>>, vector<16xf32>,
          %swap3A_1307 = vector.shape_cast %swap3A_1306 : vector<16xf32> to vector<16xf32>
          %swap3A_1308 = vector.shape_cast %add3A_1304 : vector<16xf32> to vector<16xf32>
          tpu.vector_store %arg7[%swap3A_1305], %swap3A_1308 {strides = array<i32>} : memref<1584xf32, #tpu.memory_space<vmem>>, vector<16xf32>,
          %add3A_1309 = arith.constant 16 : i32
          %add3A_1310 = arith.addi %mul3A_1296, %add3A_1309 : i32
          %get3A_1311 = arith.index_cast %add3A_1310 : i32 to index
          %get3A_1312 = tpu.vector_load %arg7[%get3A_1311] {strides = array<i32>} : memref<1584xf32, #tpu.memory_space<vmem>>, vector<16xf32>,
          %get3A_1313 = vector.shape_cast %get3A_1312 : vector<16xf32> to vector<16xf32>
          %get3A_1314 = arith.index_cast %add3A_1292 : i32 to index
          %get3A_1315 = arith.constant 16 : index
          %get3A_1316 = tpu.vector_load %arg5[%get3A_1314, %get3A_1315] {strides = array<i32>} : memref<400x32xf32, #tpu.memory_space<vmem>>, vector<1x16xf32>,
          %get3A_1317 = vector.shape_cast %get3A_1316 : vector<1x16xf32> to vector<16xf32>
          %add3A_1318 = arith.addf %get3A_1313, %get3A_1317 : vector<16xf32>
          %add3A_1319 = arith.constant 16 : i32
          %add3A_1320 = arith.addi %mul3A_1296, %add3A_1319 : i32
          %swap3A_1321 = arith.index_cast %add3A_1320 : i32 to index
          %swap3A_1322 = tpu.vector_load %arg7[%swap3A_1321] {strides = array<i32>} : memref<1584xf32, #tpu.memory_space<vmem>>, vector<16xf32>,
          %swap3A_1323 = vector.shape_cast %swap3A_1322 : vector<16xf32> to vector<16xf32>
          %swap3A_1324 = vector.shape_cast %add3A_1318 : vector<16xf32> to vector<16xf32>
          tpu.vector_store %arg7[%swap3A_1321], %swap3A_1324 {strides = array<i32>} : memref<1584xf32, #tpu.memory_space<vmem>>, vector<16xf32>,
          %add3A_1325 = arith.constant 32 : i32
          %add3A_1326 = arith.addi %mul3A_1296, %add3A_1325 : i32
          %get3A_1327 = arith.index_cast %add3A_1326 : i32 to index
          %get3A_1328 = tpu.vector_load %arg7[%get3A_1327] {strides = array<i32>} : memref<1584xf32, #tpu.memory_space<vmem>>, vector<16xf32>,
          %get3A_1329 = vector.shape_cast %get3A_1328 : vector<16xf32> to vector<16xf32>
          %add3A_1330 = arith.addf %get3A_1329, %broadcast_in_dim3A_596 : vector<16xf32>
          %add3A_1331 = arith.constant 32 : i32
          %add3A_1332 = arith.addi %mul3A_1296, %add3A_1331 : i32
          %swap3A_1333 = arith.index_cast %add3A_1332 : i32 to index
          %swap3A_1334 = tpu.vector_load %arg7[%swap3A_1333] {strides = array<i32>} : memref<1584xf32, #tpu.memory_space<vmem>>, vector<16xf32>,
          %swap3A_1335 = vector.shape_cast %swap3A_1334 : vector<16xf32> to vector<16xf32>
          %swap3A_1336 = vector.shape_cast %add3A_1330 : vector<16xf32> to vector<16xf32>
          tpu.vector_store %arg7[%swap3A_1333], %swap3A_1336 {strides = array<i32>} : memref<1584xf32, #tpu.memory_space<vmem>>, vector<16xf32>,
          %mul3A_1337 = arith.constant 16 : i32
          %mul3A_1338 = arith.muli %scan3A_614, %mul3A_1337 : i32
          %add3A_1339 = arith.constant 15 : i32
          %add3A_1340 = arith.addi %mul3A_1338, %add3A_1339 : i32
          %slice3A_1341 = vector.extract_strided_slice %get3A_618 {offsets = [15], sizes = [1], strides = [1]} : vector<16xi32> to vector<1xi32>
          %squeeze3A_1342 = vector.extract %slice3A_1341[0] : i32 from vector<1xi32>
          %mul3A_1343 = arith.constant 48 : i32
          %mul3A_1344 = arith.muli %squeeze3A_1342, %mul3A_1343 : i32
          %get3A_1345 = arith.index_cast %mul3A_1344 : i32 to index
          %get3A_1346 = tpu.vector_load %arg7[%get3A_1345] {strides = array<i32>} : memref<1584xf32, #tpu.memory_space<vmem>>, vector<16xf32>,
          %get3A_1347 = vector.shape_cast %get3A_1346 : vector<16xf32> to vector<16xf32>
          %get3A_1348 = arith.index_cast %add3A_1340 : i32 to index
          %get3A_1349 = arith.constant 0 : index
          %get3A_1350 = tpu.vector_load %arg5[%get3A_1348, %get3A_1349] {strides = array<i32>} : memref<400x32xf32, #tpu.memory_space<vmem>>, vector<1x16xf32>,
          %get3A_1351 = vector.shape_cast %get3A_1350 : vector<1x16xf32> to vector<16xf32>
          %add3A_1352 = arith.addf %get3A_1347, %get3A_1351 : vector<16xf32>
          %swap3A_1353 = arith.index_cast %mul3A_1344 : i32 to index
          %swap3A_1354 = tpu.vector_load %arg7[%swap3A_1353] {strides = array<i32>} : memref<1584xf32, #tpu.memory_space<vmem>>, vector<16xf32>,
          %swap3A_1355 = vector.shape_cast %swap3A_1354 : vector<16xf32> to vector<16xf32>
          %swap3A_1356 = vector.shape_cast %add3A_1352 : vector<16xf32> to vector<16xf32>
          tpu.vector_store %arg7[%swap3A_1353], %swap3A_1356 {strides = array<i32>} : memref<1584xf32, #tpu.memory_space<vmem>>, vector<16xf32>,
          %add3A_1357 = arith.constant 16 : i32
          %add3A_1358 = arith.addi %mul3A_1344, %add3A_1357 : i32
          %get3A_1359 = arith.index_cast %add3A_1358 : i32 to index
          %get3A_1360 = tpu.vector_load %arg7[%get3A_1359] {strides = array<i32>} : memref<1584xf32, #tpu.memory_space<vmem>>, vector<16xf32>,
          %get3A_1361 = vector.shape_cast %get3A_1360 : vector<16xf32> to vector<16xf32>
          %get3A_1362 = arith.index_cast %add3A_1340 : i32 to index
          %get3A_1363 = arith.constant 16 : index
          %get3A_1364 = tpu.vector_load %arg5[%get3A_1362, %get3A_1363] {strides = array<i32>} : memref<400x32xf32, #tpu.memory_space<vmem>>, vector<1x16xf32>,
          %get3A_1365 = vector.shape_cast %get3A_1364 : vector<1x16xf32> to vector<16xf32>
          %add3A_1366 = arith.addf %get3A_1361, %get3A_1365 : vector<16xf32>
          %add3A_1367 = arith.constant 16 : i32
          %add3A_1368 = arith.addi %mul3A_1344, %add3A_1367 : i32
          %swap3A_1369 = arith.index_cast %add3A_1368 : i32 to index
          %swap3A_1370 = tpu.vector_load %arg7[%swap3A_1369] {strides = array<i32>} : memref<1584xf32, #tpu.memory_space<vmem>>, vector<16xf32>,
          %swap3A_1371 = vector.shape_cast %swap3A_1370 : vector<16xf32> to vector<16xf32>
          %swap3A_1372 = vector.shape_cast %add3A_1366 : vector<16xf32> to vector<16xf32>
          tpu.vector_store %arg7[%swap3A_1369], %swap3A_1372 {strides = array<i32>} : memref<1584xf32, #tpu.memory_space<vmem>>, vector<16xf32>,
          %add3A_1373 = arith.constant 32 : i32
          %add3A_1374 = arith.addi %mul3A_1344, %add3A_1373 : i32
          %get3A_1375 = arith.index_cast %add3A_1374 : i32 to index
          %get3A_1376 = tpu.vector_load %arg7[%get3A_1375] {strides = array<i32>} : memref<1584xf32, #tpu.memory_space<vmem>>, vector<16xf32>,
          %get3A_1377 = vector.shape_cast %get3A_1376 : vector<16xf32> to vector<16xf32>
          %add3A_1378 = arith.addf %get3A_1377, %broadcast_in_dim3A_596 : vector<16xf32>
          %add3A_1379 = arith.constant 32 : i32
          %add3A_1380 = arith.addi %mul3A_1344, %add3A_1379 : i32
          %swap3A_1381 = arith.index_cast %add3A_1380 : i32 to index
          %swap3A_1382 = tpu.vector_load %arg7[%swap3A_1381] {strides = array<i32>} : memref<1584xf32, #tpu.memory_space<vmem>>, vector<16xf32>,
          %swap3A_1383 = vector.shape_cast %swap3A_1382 : vector<16xf32> to vector<16xf32>
          %swap3A_1384 = vector.shape_cast %add3A_1378 : vector<16xf32> to vector<16xf32>
          tpu.vector_store %arg7[%swap3A_1381], %swap3A_1384 {strides = array<i32>} : memref<1584xf32, #tpu.memory_space<vmem>>, vector<16xf32>,
        }
        %scan3A_613 = arith.constant 25 : i32
      }
      %scan3A_601 = arith.constant 10 : i32
      "tpu.region"() ({
        %run_scoped3A = tpu.sem_alloc : memref<!tpu.dma_semaphore, #tpu.memory_space<semaphore_mem>>
        %dma_start3A = arith.constant 0 : i32
        %dma_start3A_602 = tpu.memref_slice %arg4[%add3A, %dma_start3A] : memref<25x1584xf32, #tpu.memory_space<hbm>> -> memref<1x1584xf32, #tpu.memory_space<hbm>>
        %dma_start3A_603 = tpu.memref_squeeze %dma_start3A_602 : memref<1x1584xf32, #tpu.memory_space<hbm>> -> memref<1584xf32, #tpu.memory_space<hbm>>
        %dma_start3A_604 = arith.constant 0 : i32
        %dma_start3A_605 = tpu.memref_slice %arg4[%add3A, %dma_start3A_604] : memref<25x1584xf32, #tpu.memory_space<hbm>> -> memref<1x1584xf32, #tpu.memory_space<hbm>>
        %dma_start3A_606 = tpu.memref_squeeze %dma_start3A_605 : memref<1x1584xf32, #tpu.memory_space<hbm>> -> memref<1584xf32, #tpu.memory_space<hbm>>
        tpu.enqueue_dma source(%arg7 : memref<1584xf32, #tpu.memory_space<vmem>>) target(%dma_start3A_606 : memref<1584xf32, #tpu.memory_space<hbm>>) target_semaphore(%run_scoped3A : memref<!tpu.dma_semaphore, #tpu.memory_space<semaphore_mem>>)
        %dma_wait3A = arith.constant 0 : i32
        %dma_wait3A_607 = tpu.memref_slice %arg4[%add3A, %dma_wait3A] : memref<25x1584xf32, #tpu.memory_space<hbm>> -> memref<1x1584xf32, #tpu.memory_space<hbm>>
        %dma_wait3A_608 = tpu.memref_squeeze %dma_wait3A_607 : memref<1x1584xf32, #tpu.memory_space<hbm>> -> memref<1584xf32, #tpu.memory_space<hbm>>
        %dma_wait3A_609 = arith.constant 0 : i32
        %dma_wait3A_610 = tpu.memref_slice %arg4[%add3A, %dma_wait3A_609] : memref<25x1584xf32, #tpu.memory_space<hbm>> -> memref<1x1584xf32, #tpu.memory_space<hbm>>
        %dma_wait3A_611 = tpu.memref_squeeze %dma_wait3A_610 : memref<1x1584xf32, #tpu.memory_space<hbm>> -> memref<1584xf32, #tpu.memory_space<hbm>>
        tpu.wait_dma2 semaphore(%run_scoped3A : memref<!tpu.dma_semaphore, #tpu.memory_space<semaphore_mem>>) src(%arg7 : memref<1584xf32, #tpu.memory_space<vmem>>) dst(%dma_wait3A_611 : memref<1584xf32, #tpu.memory_space<hbm>>)
        tpu.yield
      }) : () -> ()
    } else {
    }
    return
  }
}

module attributes {stable_mosaic.version = 14 : i64} {
  func.func @_apply_body(%arg0: i32, %arg1: memref<5000x32xf32, #tpu.memory_space<vmem>>, %arg2: memref<5000x1xi32, #tpu.memory_space<vmem>>, %arg3: memref<896x32xbf16, #tpu.memory_space<vmem>>, %arg4: memref<5000x32xf32, #tpu.memory_space<vmem>>) attributes {dimension_semantics = [#tpu.dimension_semantics<arbitrary>], iteration_bounds = array<i64: 20>, scalar_prefetch = 0 : i64, scratch_operands = 0 : i64, tpu.core_type = #tpu.core_type<tc>, window_params = [{transform_indices = @transform_0, window_bounds = array<i64: 5000, 32>}, {transform_indices = @transform_1, window_bounds = array<i64: 5000, 1>}, {pipeline_mode = #tpu.pipeline_mode<synchronous>, transform_indices = @transform_2, window_bounds = array<i64: 896, 32>}, {transform_indices = @transform_3, window_bounds = array<i64: 5000, 32>}]} {
    %get3A = arith.constant 0 : index
    %get3A_0 = arith.constant 0 : index
    %get3A_1 = vector.load %arg1[%get3A, %get3A_0] : memref<5000x32xf32, #tpu.memory_space<vmem>>, vector<5000x32xf32>
    %get3A_2 = arith.constant 0 : index
    %get3A_3 = arith.constant 0 : index
    %get3A_4 = vector.load %arg2[%get3A_2, %get3A_3] : memref<5000x1xi32, #tpu.memory_space<vmem>>, vector<5000x1xi32>
    %convert_element_type3A = arith.truncf %get3A_1 : vector<5000x32xf32> to vector<5000x32xbf16>
    %jit3A = arith.constant 4 : i32
    %div3A = vector.broadcast %jit3A : i32 to vector<5000x1xi32>
    %div3A_5 = arith.divsi %get3A_4, %div3A : vector<5000x1xi32>
    %sign3A = arith.constant 0 : i32
    %sign3A_6 = vector.broadcast %sign3A : i32 to vector<5000x1xi32>
    %sign3A_7 = arith.cmpi sgt, %get3A_4, %sign3A_6 : vector<5000x1xi32>
    %sign3A_8 = arith.extui %sign3A_7 : vector<5000x1xi1> to vector<5000x1xi32>
    %sign3A_9 = arith.constant 0 : i32
    %sign3A_10 = vector.broadcast %sign3A_9 : i32 to vector<5000x1xi32>
    %sign3A_11 = arith.cmpi slt, %get3A_4, %sign3A_10 : vector<5000x1xi32>
    %sign3A_12 = arith.extui %sign3A_11 : vector<5000x1xi1> to vector<5000x1xi32>
    %sign3A_13 = arith.subi %sign3A_8, %sign3A_12 : vector<5000x1xi32>
    %sign3A_14 = arith.constant 0 : i32
    %sign3A_15 = arith.cmpi sgt, %jit3A, %sign3A_14 : i32
    %sign3A_16 = arith.extui %sign3A_15 : i1 to i32
    %sign3A_17 = arith.constant 0 : i32
    %sign3A_18 = arith.cmpi slt, %jit3A, %sign3A_17 : i32
    %sign3A_19 = arith.extui %sign3A_18 : i1 to i32
    %sign3A_20 = arith.subi %sign3A_16, %sign3A_19 : i32
    %ne3A = vector.broadcast %sign3A_20 : i32 to vector<5000x1xi32>
    %ne3A_21 = arith.cmpi ne, %sign3A_13, %ne3A : vector<5000x1xi32>
    %rem3A = vector.broadcast %jit3A : i32 to vector<5000x1xi32>
    %rem3A_22 = arith.remsi %get3A_4, %rem3A : vector<5000x1xi32>
    %ne3A_23 = arith.constant 0 : i32
    %ne3A_24 = vector.broadcast %ne3A_23 : i32 to vector<5000x1xi32>
    %ne3A_25 = arith.cmpi ne, %rem3A_22, %ne3A_24 : vector<5000x1xi32>
    %and3A = arith.andi %ne3A_21, %ne3A_25 : vector<5000x1xi1>
    %sub3A = arith.constant 1 : i32
    %sub3A_26 = vector.broadcast %sub3A : i32 to vector<5000x1xi32>
    %sub3A_27 = arith.subi %div3A_5, %sub3A_26 : vector<5000x1xi32>
    %select_n3A = arith.select %and3A, %sub3A_27, %div3A_5 : vector<5000x1xi1>, vector<5000x1xi32>
    %convert_element_type3A_28 = arith.sitofp %get3A_4 : vector<5000x1xi32> to vector<5000x1xbf16>
    %concatenate3A = tpu.concatenate %convert_element_type3A, %convert_element_type3A, %convert_element_type3A, %convert_element_type3A in 1 : vector<5000x32xbf16>, vector<5000x32xbf16>, vector<5000x32xbf16>, vector<5000x32xbf16> -> vector<5000x128xbf16>
    %concatenate3A_29 = tpu.concatenate %concatenate3A, %concatenate3A, %concatenate3A, %concatenate3A, %concatenate3A, %concatenate3A in 1 : vector<5000x128xbf16>, vector<5000x128xbf16>, vector<5000x128xbf16>, vector<5000x128xbf16>, vector<5000x128xbf16>, vector<5000x128xbf16> -> vector<5000x768xbf16>
    %iota3A = tpu.iota {dimensions = array<i32: 1>} : vector<5000x768xi32>
    %jit3A_30 = arith.constant 32 : i32
    %div3A_31 = vector.broadcast %jit3A_30 : i32 to vector<5000x768xi32>
    %div3A_32 = arith.divsi %iota3A, %div3A_31 : vector<5000x768xi32>
    %sign3A_33 = arith.constant 0 : i32
    %sign3A_34 = vector.broadcast %sign3A_33 : i32 to vector<5000x768xi32>
    %sign3A_35 = arith.cmpi sgt, %iota3A, %sign3A_34 : vector<5000x768xi32>
    %sign3A_36 = arith.extui %sign3A_35 : vector<5000x768xi1> to vector<5000x768xi32>
    %sign3A_37 = arith.constant 0 : i32
    %sign3A_38 = vector.broadcast %sign3A_37 : i32 to vector<5000x768xi32>
    %sign3A_39 = arith.cmpi slt, %iota3A, %sign3A_38 : vector<5000x768xi32>
    %sign3A_40 = arith.extui %sign3A_39 : vector<5000x768xi1> to vector<5000x768xi32>
    %sign3A_41 = arith.subi %sign3A_36, %sign3A_40 : vector<5000x768xi32>
    %sign3A_42 = arith.constant 0 : i32
    %sign3A_43 = arith.cmpi sgt, %jit3A_30, %sign3A_42 : i32
    %sign3A_44 = arith.extui %sign3A_43 : i1 to i32
    %sign3A_45 = arith.constant 0 : i32
    %sign3A_46 = arith.cmpi slt, %jit3A_30, %sign3A_45 : i32
    %sign3A_47 = arith.extui %sign3A_46 : i1 to i32
    %sign3A_48 = arith.subi %sign3A_44, %sign3A_47 : i32
    %ne3A_49 = vector.broadcast %sign3A_48 : i32 to vector<5000x768xi32>
    %ne3A_50 = arith.cmpi ne, %sign3A_41, %ne3A_49 : vector<5000x768xi32>
    %rem3A_51 = vector.broadcast %jit3A_30 : i32 to vector<5000x768xi32>
    %rem3A_52 = arith.remsi %iota3A, %rem3A_51 : vector<5000x768xi32>
    %ne3A_53 = arith.constant 0 : i32
    %ne3A_54 = vector.broadcast %ne3A_53 : i32 to vector<5000x768xi32>
    %ne3A_55 = arith.cmpi ne, %rem3A_52, %ne3A_54 : vector<5000x768xi32>
    %and3A_56 = arith.andi %ne3A_50, %ne3A_55 : vector<5000x768xi1>
    %sub3A_57 = arith.constant 1 : i32
    %sub3A_58 = vector.broadcast %sub3A_57 : i32 to vector<5000x768xi32>
    %sub3A_59 = arith.subi %div3A_32, %sub3A_58 : vector<5000x768xi32>
    %select_n3A_60 = arith.select %and3A_56, %sub3A_59, %div3A_32 : vector<5000x768xi1>, vector<5000x768xi32>
    %convert_element_type3A_61 = arith.sitofp %select_n3A_60 : vector<5000x768xi32> to vector<5000x768xbf16>
    %eq3A = vector.broadcast %convert_element_type3A_28 : vector<5000x1xbf16> to vector<5000x768xbf16>
    %eq3A_62 = arith.cmpf oeq, %eq3A, %convert_element_type3A_61 : vector<5000x768xbf16>
    %jit3A_63 = arith.constant 0.000000e+00 : bf16
    %broadcast_in_dim3A = vector.broadcast %jit3A_63 : bf16 to vector<5000x768xbf16>
    %select_n3A_64 = arith.select %eq3A_62, %concatenate3A_29, %broadcast_in_dim3A : vector<5000x768xi1>, vector<5000x768xbf16>
    %iota3A_65 = tpu.iota {dimensions = array<i32: 1>} : vector<5000x128xi32>
    %convert_element_type3A_66 = arith.sitofp %iota3A_65 : vector<5000x128xi32> to vector<5000x128xbf16>
    %eq3A_67 = vector.broadcast %convert_element_type3A_28 : vector<5000x1xbf16> to vector<5000x128xbf16>
    %eq3A_68 = arith.cmpf oeq, %eq3A_67, %convert_element_type3A_66 : vector<5000x128xbf16>
    %convert_element_type3A_69 = arith.extui %eq3A_68 : vector<5000x128xi1> to vector<5000x128xi32>
    %convert_element_type3A_70 = arith.sitofp %convert_element_type3A_69 : vector<5000x128xi32> to vector<5000x128xf32>
    %convert_element_type3A_71 = arith.truncf %convert_element_type3A_70 : vector<5000x128xf32> to vector<5000x128xbf16>
    %concatenate3A_72 = tpu.concatenate %select_n3A_64, %convert_element_type3A_71 in 1 : vector<5000x768xbf16>, vector<5000x128xbf16> -> vector<5000x896xbf16>
    %get3A_73 = arith.constant 0 : index
    %get3A_74 = arith.constant 0 : index
    %get3A_75 = vector.load %arg3[%get3A_73, %get3A_74] : memref<896x32xbf16, #tpu.memory_space<vmem>>, vector<896x32xbf16>
    %dot_general3A = arith.constant dense<0.000000e+00> : vector<5000x32xf32>
    %dot_general3A_76 = tpu.matmul %concatenate3A_72, %get3A_75, %dot_general3A {dimension_numbers = #tpu.dot_dimension_numbers<[1], [0], [0], [1], [0, 0, 1, 1], [], []>, transpose_lhs_hint = false} : vector<5000x896xbf16>, vector<896x32xbf16>, vector<5000x32xf32> -> vector<5000x32xf32>
    %lt3A = arith.constant 6 : i32
    %lt3A_77 = vector.broadcast %lt3A : i32 to vector<5000x1xi32>
    %lt3A_78 = arith.cmpi slt, %select_n3A, %lt3A_77 : vector<5000x1xi32>
    %broadcast_in_dim3A_79 = vector.shape_cast %lt3A_78 : vector<5000x1xi1> to vector<5000x1xi1>
    %broadcast_in_dim3A_80 = vector.broadcast %broadcast_in_dim3A_79 : vector<5000x1xi1> to vector<5000x32xi1>
    %select_n3A_81 = arith.select %broadcast_in_dim3A_80, %dot_general3A_76, %get3A_1 : vector<5000x32xi1>, vector<5000x32xf32>
    %swap3A = arith.constant 0 : index
    %swap3A_82 = arith.constant 0 : index
    %swap3A_83 = vector.load %arg4[%swap3A, %swap3A_82] : memref<5000x32xf32, #tpu.memory_space<vmem>>, vector<5000x32xf32>
    tpu.vector_store %arg4[%swap3A, %swap3A_82], %select_n3A_81 {strides = array<i32>} : memref<5000x32xf32, #tpu.memory_space<vmem>>, vector<5000x32xf32>,
    return
  }
  func.func @transform_0(%arg0: i32) -> (i32, i32) {
    %c0_i32 = arith.constant 0 : i32
    %c0_i32_0 = arith.constant 0 : i32
    return %arg0, %c0_i32 : i32, i32
  }
  func.func @transform_1(%arg0: i32) -> (i32, i32) {
    %c0_i32 = arith.constant 0 : i32
    %c0_i32_0 = arith.constant 0 : i32
    return %arg0, %c0_i32 : i32, i32
  }
  func.func @transform_2(%arg0: i32) -> (i32, i32) {
    %c0_i32 = arith.constant 0 : i32
    %c0_i32_0 = arith.constant 0 : i32
    %c0_i32_1 = arith.constant 0 : i32
    return %c0_i32, %c0_i32_0 : i32, i32
  }
  func.func @transform_3(%arg0: i32) -> (i32, i32) {
    %c0_i32 = arith.constant 0 : i32
    %c0_i32_0 = arith.constant 0 : i32
    return %arg0, %c0_i32 : i32, i32
  }
}

</mosaic_0001>

<sc_bundles>
// kernel: kernel.4.cloned.1.call-start
scs
__scs_entry_jumppad:
0x0: {  	(pc) =	sbr.rel $0x88, $3  }
0x1: {  	(tag) =	ssettag $0x0;
	lr =	simm.s32 $0x1  }
0x2: {  	[smem:$0x3F9C] =	sst lr;
	_ =	strace $0xD0000000  }
0x3: {  	_ = 	snop  }
0x4: {  	_ = 	snop  }
0x5: {  	_ = 	snop  }
0x6: {  	_ = 	snop  }
0x7: {  	_ = 	snop  }
__scs_overlays_trampoline_lowered:
0x8: {  	[smem:$0x3FAB] =	sst s0  }
0x9: {  	[smem:$0x3FAC] =	sst s1  }
0xa: {  	[smem:$0x3FAD] =	sst s2  }
0xb: {  	[smem:$0x3FAE] =	sst s3  }
0xc: {  	[smem:$0x3FAF] =	sst s4  }
0xd: {  	[smem:$0x3FB0] =	sst s5  }
0xe: {  	[smem:$0x3FB1] =	sst s6  }
0xf: {  	[smem:$0x3FB2] =	sst s7  }
0x10: {  	[smem:$0x3FB3] =	sst s8  }
0x11: {  	[smem:$0x3FB4] =	sst s9;
	s0 =	simm.s32 @!p0 $0x0  }
0x12: {  	s1 =	sld [smem:$0x3F9A];
	s0 =	simm.s32 @p0 $0x1  }
0x13: {  	[smem:$0x3FB5] =	sst s0;
	s0 =	simm.s32 @!p1 $0x0  }
0x14: {  	s2 =	sld [smem:$0x3F99];
	s0 =	simm.s32 @p1 $0x1  }
0x15: {  	[smem:$0x3FB6] =	sst s0;
	s0 =	simm.s32 @!p2 $0x0  }
0x16: {  	s3 =	sld [smem:$0x3FDB];
	s0 =	simm.s32 @p2 $0x1  }
0x17: {  	s4 =	simm.s32 $0x1BF5;
	[smem:$0x3FB8] =	sst s0  }
0x18: {  	s0 =	sld [smem:$0x3F9B];
	_ =	swait.ge [sflag:s4], $0x0  }
0x19: {  	s7 =	sld [smem:$0x3F9C]  }
0x1a: {  	s8 =	sadd.s32 $0xFFFFE003, lr  }
0x1b: {  	s9 =	sadd.s32 $0xFFFFFEF7, lr;
	s5 =	simm.s32 $0xFFFFFFFF;
	p2 =	slt.u32 s8, $0xFFFFF086  }
0x1c: {  	p1 =	slt.u32 s9, $0xF7A;
	s5 =	simm.s32 @!p2 $0x0  }
0x1d: {  	s5 =	simm.s32 @p1 $0x1;
	p0 =	seq.s32 s7, s2  }
0x1e: {  	s7 =	smul.u32 @!p0 $0xF7A, s2;
	p2 =	seq.s32 @!p0 s5, $0x0  }
0x1f: {  	s9 =	smul.u32 $0xF7A, s1;
	s8 =	simm.s32 @!p0 $0x1BF5;
	p2 =	por !p2, p0  }
0x20: {  	[sflag:s8] =	ssyncset.s32 @!p0 $0xFFFFF086;
	s6 =	sadd.s32 @!p0 s3, s7;
	s7 =	simm.s32 @!p0 $0x108  }
0x21: {  	s3 =	sadd.s32 s3, s9;
	s6 =	sadd.s32 @!p0 $0x88, s6;
	s7 =	simm.s32 @p2 $0x1082  }
0x22: {  	[simem:s7], [sflag:s8] =	dma.local @!p0 [hbm:s6], $0xF7A  }
0x23: {  	s9 =	sor.u32 $0xD0000000, s2;
	s6 =	simm.s32 $0x108;
	_ =	swait.ge @!p0 [sflag:s8], $0x0  }
0x24: {  	s3 =	sadd.s32 $0x88, s3;
	s6 =	simm.s32 @!p1 $0x1082;
	[sflag:s4] =	ssyncset.s32 $0xFFFFF086  }
0x25: {  	[simem:s6], [sflag:s4] =	dma.local [hbm:s3], $0xF7A  }
0x26: {  	[smem:$0x3F9C] =	sst s1;
	(tag) =	ssettag s2;
	_ =	strace s9  }
0x27: {  	s1 =	sld [smem:$0x3FAC]  }
0x28: {  	s2 =	sld [smem:$0x3FAD]  }
0x29: {  	s4 =	sld [smem:$0x3FAF]  }
0x2a: {  	p0 =	seq.s32 s5, $0x0;
	s5 =	sld [smem:$0x3FB0]  }
0x2b: {  	s6 =	sld [smem:$0x3FB1]  }
0x2c: {  	s7 =	sld [smem:$0x3FB2]  }
0x2d: {  	s3 =	simm.s32 $0x108;
	s8 =	sld [smem:$0x3FB3]  }
0x2e: {  	s3 =	simm.s32 @!p0 $0x1082;
	s9 =	sld [smem:$0x3FB4]  }
0x2f: {  	lr =	sadd.s32 s0, s3;
	s0 =	sld [smem:$0x3FAB]  }
0x30: {  	s3 =	sld [smem:$0x3FAE]  }
0x31: {  	[smem:$0x3FB7] =	sst s10  }
0x32: {  	s10 =	sld [smem:$0x3FB5];
	_ =	sdelay $0x3  }
0x33: {  	p0 =	seq.s32 s10, $0x1;
	s10 =	sld [smem:$0x3FB7];
	_ =	sdelay $0x3  }
0x34: {  	[smem:$0x3FB7] =	sst s10  }
0x35: {  	s10 =	sld [smem:$0x3FB6];
	_ =	sdelay $0x3  }
0x36: {  	p1 =	seq.s32 s10, $0x1;
	s10 =	sld [smem:$0x3FB7];
	_ =	sdelay $0x3  }
0x37: {  	[smem:$0x3FB7] =	sst s10  }
0x38: {  	s10 =	sld [smem:$0x3FB8]  }
0x39: {  	_ = 	snop;
	(pc) =	sbr.ind lr, $3  }
0x3a: {  	_ = 	snop  }
0x3b: {  	_ = 	snop  }
0x3c: {  	p2 =	seq.s32 s10, $0x1;
	s10 =	sld [smem:$0x3FB7]  }
0x3d: {  	_ =	shalt  }
0x3e: {  	_ =	shalt  }
0x3f: {  	_ =	shalt  }
0x40: {  	_ =	shalt  }
0x41: {  	_ =	shalt  }
0x42: {  	_ =	shalt  }
0x43: {  	_ =	shalt  }
0x44: {  	_ =	shalt  }
0x45: {  	_ =	shalt  }
0x46: {  	_ =	shalt  }
0x47: {  	_ =	shalt  }
0x48: {  	_ =	shalt  }
0x49: {  	_ =	shalt  }
0x4a: {  	_ =	shalt  }
0x4b: {  	_ =	shalt  }
0x4c: {  	_ =	shalt  }
0x4d: {  	_ =	shalt  }
0x4e: {  	_ =	shalt  }
0x4f: {  	_ =	shalt  }
0x50: {  	_ =	shalt  }
0x51: {  	_ =	shalt  }
0x52: {  	_ =	shalt  }
0x53: {  	_ =	shalt  }
0x54: {  	_ =	shalt  }
0x55: {  	_ =	shalt  }
0x56: {  	_ =	shalt  }
0x57: {  	_ =	shalt  }
0x58: {  	_ =	shalt  }
0x59: {  	_ =	shalt  }
0x5a: {  	_ =	shalt  }
0x5b: {  	_ =	shalt  }
0x5c: {  	_ =	shalt  }
0x5d: {  	_ =	shalt  }
0x5e: {  	_ =	shalt  }
0x5f: {  	_ =	shalt  }
0x60: {  	_ =	shalt  }
0x61: {  	_ =	shalt  }
0x62: {  	_ =	shalt  }
0x63: {  	_ =	shalt  }
0x64: {  	_ =	shalt  }
0x65: {  	_ =	shalt  }
0x66: {  	_ =	shalt  }
0x67: {  	_ =	shalt  }
0x68: {  	_ =	shalt  }
0x69: {  	_ =	shalt  }
0x6a: {  	_ =	shalt  }
0x6b: {  	_ =	shalt  }
0x6c: {  	_ =	shalt  }
0x6d: {  	_ =	shalt  }
0x6e: {  	_ =	shalt  }
0x6f: {  	_ =	shalt  }
0x70: {  	_ =	shalt  }
0x71: {  	_ =	shalt  }
0x72: {  	_ =	shalt  }
0x73: {  	_ =	shalt  }
0x74: {  	_ =	shalt  }
0x75: {  	_ =	shalt  }
0x76: {  	_ =	shalt  }
0x77: {  	_ =	shalt  }
0x78: {  	_ =	shalt  }
0x79: {  	_ =	shalt  }
0x7a: {  	_ =	shalt  }
0x7b: {  	_ =	shalt  }
0x7c: {  	_ =	shalt  }
0x7d: {  	_ =	shalt  }
0x7e: {  	_ =	shalt  }
0x7f: {  	_ =	shalt  }
0x80: {  	_ =	shalt  }
0x81: {  	_ =	shalt  }
0x82: {  	_ =	shalt  }
0x83: {  	_ =	shalt  }
0x84: {  	_ =	shalt  }
0x85: {  	_ =	shalt  }
0x86: {  	_ =	shalt  }
0x87: {  	_ =	shalt  }
.Lfunc_end0:
.L_simem_size_0:
called_computation_lowered:
.L_overlay_start_0:
0x88: {  	s2 =	sld [smem:$0x3FD9]  }
0x89: {  	s3 =	sld [smem:$0x3FFE];
	_ =	sdelay $0x1  }
0x8a: {  	s1 =	srdreg.scid  }
0x8b: {  	s0 =	sand.u32 $0x1, s1  }
0x8c: {  	s17 =	sshll.u32 s0, $0xA;
	s2 =	sadd.s32 s3, s2  }
0x8d: {  	s2 =	sadd.s32 s2, s17  }
0x8e: {  	[smem:$0x3FC3] =	sst s2  }
0x8f: {  	_ = 	snop  }
0x90: {  	s2 =	sld [smem:$0x3FD0];
	(tm) =	ssettm $0x1  }
0x91: {  	s18 =	sld [smem:$0x3FFB];
	_ =	sdelay $0x3  }
0x92: {  	_ =	strace s18  }
0x93: {  	s3 =	sld [smem:$0x3FFC];
	_ =	sdelay $0x3  }
0x94: {  	_ =	strace s3  }
0x95: {  	s3 =	sld [smem:$0x3FFD];
	_ =	sdelay $0x3  }
0x96: {  	_ =	strace s3  }
0x97: {  	_ =	strace $0x8FFFFFFF  }
0x98: {  	s19 =	sld [smem:$0x3FDB];
	_ =	sdelay $0x1  }
0x99: {  	s4 =	simm.s32 $_scs_section_size  }
0x9a: {  	s5 =	simm.s32 $_size__tile_overlayer_lowered;
	s6 =	simm.s32 $_tile_overlayer_lowered  }
0x9b: {  	s22 =	simm.s32 $0x1BFF;
	s21 =	sshll.u32 s6, $0x1;
	s3 =	sadd.s32 s4, s19  }
0x9c: {  	s7 =	simm.s32 $0x0;
	s20 =	sshll.u32 s5, $0x1;
	s5 =	sadd.s32 s21, s3  }
0x9d: {  	[timem:s7], [sflag:s22] =	dma.local [hbm:s5], s20  }
0x9e: {  	_ =	swait.ge [sflag:s22], s20  }
0x9f: {  	s4 =	ssub.s32 $0x0, s20;
	[sflag:s22] =	ssyncset.done $0x0  }
0xa0: {  	[sflag:s22] =	ssyncadd.s32 s4;
	_ =	sdelay $0x1  }
0xa1: {  	s23 =	simm.s32 $0x1B8B  }
0xa2: {  	_ =	swait.ge [sflag:s23], $0x1  }
0xa3: {  	[sflag:s23] =	ssyncset.done $0x0  }
0xa4: {  	s25 =	simm.s32 $0x1B8E;
	s24 =	sld [smem:$0x3FFE];
	[sflag:s23] =	ssyncadd.s32 $0xFFFFFFFF  }
0xa5: {  	s26 =	simm.s32 $execute0_lowered;
	[smem:$0x3FD2] =	sst s25  }
0xa6: {  	s5 =	sshll.u32 s26, $0x1;
	_ =	strace $0x80000046;
	[dreg:$0x1] =	wrdreg $0xFFFFFFFF  }
0xa7: {  	s28 =	simm.s32 $_size_execute0_lowered;
	s3 =	sadd.s32 s3, s5;
	[dreg:$0x0] =	wrdreg $0x0  }
0xa8: {  	s5 =	sshll.u32 s28, $0x1;
	[dreg:$0x2] =	wrdreg s3  }
0xa9: {  	[dreg:$0x3] =	wrdreg s5  }
0xaa: {  	[dreg:$0x4] =	wrdreg $0xC0  }
0xab: {  	_ =	task [dreg:s7], $0x5FFFF  }
0xac: {  	[dreg:$0x1] =	wrdreg $0xFFFFFFFF  }
0xad: {  	[dreg:$0x0] =	wrdreg $0x60  }
0xae: {  	[dreg:$0x2] =	wrdreg s24  }
0xaf: {  	[dreg:$0x3] =	wrdreg s2  }
0xb0: {  	[dreg:$0x4] =	wrdreg $0x9  }
0xb1: {  	_ =	task.clear_ibuf [dreg:s7], $0x5FFFF;
	_ =	strace $0x90000046  }
0xb2: {  	s29 =	simm.s32 $0x9;
	_ =	strace $0x80000048  }
0xb3: {  	_ =	swait.ge [sflag:s29], $0x1  }
0xb4: {  	[sflag:s29] =	ssyncadd.s32 $0xFFFFFFFF  }
0xb5: {  	_ =	strace $0x90000048  }
0xb6: {  	_ =	sfence  }
0xb7: {  	s30 =	sld [smem:$0x0];
	_ =	sdelay $0x2  }
0xb8: {  	s31 =	sshll.u32 s1, $0xD;
	s1 =	sshrl.u32 s1, $0x2  }
0xb9: {  	s3 =	sand.u32 $0x4000, s31;
	s1 =	sadd.s32 s1, s30  }
0xba: {  	s0 =	sor.u32 s3, s0;
	s1 =	sshll.u32 s1, $0x11  }
0xbb: {  	s0 =	sor.u32 s1, s0  }
0xbc: {  	s0 =	sadd.s32 $0x8F2B, s0  }
0xbd: {  	[sflag:s0] =	ssyncadd.remote.s32 $0x1  }
0xbe: {  	_ =	sfence.sel $0xFFFF  }
0xbf: {  	[dreg:$0x0] =	wrdreg $0xFFFFFFFF;
	(pc) =	sbr.abs _section_cstart, $3  }
0xc0: {  	[dreg:$0x1] =	wrdreg $0xFFFFFFFF  }
0xc1: {  	_ =	task.clear_ibuf [dreg:s7], $0x2FFFF;
	_ =	strace $0x9FFFFFFF  }
0xc2: {  	(tm) =	ssettm $0x7FFFFFFF  }
0xc3: {  	_ =	shalt  }
tec
execute0_lowered:
.L_overlay_start_1:
0x0: {  	(tag) =	ssettag $0x1  }
0x1: {  	s1 =	srdreg.scid;
	s0 =	stileid.u32  }
0x2: {  	s5 =	sand.u32 $0x1, s1;
	s6 =	sshll.u32 s0, $0x1  }
0x3: {  	s6 =	sor.u32 s5, s6  }
0x4: {  	p0 =	sgt.u32 s6, $0x18  }
.Ltmp0:
0x5: {  	_ = 	snop;
	(pc) =	sbr.rel @p0 .LBB2_7-.Ltmp0, $4  }
0x6: {  	s2 =	rddreg [dreg:$0x0]  }
0x7: {  	s3 =	rddreg [dreg:$0x1];
	s4 =	simm.s32 $0x0  }
0x8: {  	[smem:$0x7FF] =	sst s4  }
0x9: {  	s1 =	rddreg [dreg:$0x2];
	_ =	strace $0x80000047  }
0xa: {  	s7 =	sshrl.u32 s0, $0x2  }
0xb: {  	s8 =	sshll.u32 s6, $0x7;
	s30 =	ssub.s32 $0x2, s5;
	s7 =	smul.u32 $0x3400, s7  }
0xc: {  	s5 =	smul.u32 $0xFA0, s6;
	s10 =	simm.s32 $0x80;
	s8 =	sand.u32 $0x380, s8  }
0xd: {  	s11 =	simm.s32 $0x400;
	s12 =	simm.s32 $0xCA00;
	s7 =	sor.u32 s7, s8  }
0xe: {  	s13 =	simm.s32 $0x0;
	s9 =	sshrl.u32 s30, $0x1;
	s7 =	sshrl.u32 s7, $0x3  }
0xf: {  	s31 =	ssub.s32 s30, s9;
	s9 =	simm.s32 $0xC800;
	s7 =	sadd.s32 s7, s2  }
0x10: {  	v0 =	vimm.f32 $0.0e+00;
	s8 =	simm.s32 $0x1;
	s6 =	sadd.s32 $0x186A00, s7;
	s7 =	smax.u32 s31, $0x1  }
.LBB2_2:
0x11: {  	[tilespmem:$0xCA00] =	vst v0  }
0x12: {  	[tilespmem:$0xCA10] =	vst v0  }
0x13: {  	[tilespmem:$0xCA20] =	vst v0  }
0x14: {  	[tilespmem:$0xCA30] =	vst v0  }
0x15: {  	[tilespmem:$0xCA40] =	vst v0  }
0x16: {  	[tilespmem:$0xCA50] =	vst v0  }
0x17: {  	[tilespmem:$0xCA60] =	vst v0  }
0x18: {  	[tilespmem:$0xCA70] =	vst v0  }
0x19: {  	[tilespmem:$0xCA80] =	vst v0  }
0x1a: {  	[tilespmem:$0xCA90] =	vst v0  }
0x1b: {  	[tilespmem:$0xCAA0] =	vst v0  }
0x1c: {  	[tilespmem:$0xCAB0] =	vst v0  }
0x1d: {  	[tilespmem:$0xCAC0] =	vst v0  }
0x1e: {  	[tilespmem:$0xCAD0] =	vst v0  }
0x1f: {  	[tilespmem:$0xCAE0] =	vst v0  }
0x20: {  	[tilespmem:$0xCAF0] =	vst v0  }
0x21: {  	[tilespmem:$0xCB00] =	vst v0  }
0x22: {  	[tilespmem:$0xCB10] =	vst v0  }
0x23: {  	[tilespmem:$0xCB20] =	vst v0  }
0x24: {  	[tilespmem:$0xCB30] =	vst v0  }
0x25: {  	[tilespmem:$0xCB40] =	vst v0  }
0x26: {  	[tilespmem:$0xCB50] =	vst v0  }
0x27: {  	[tilespmem:$0xCB60] =	vst v0  }
0x28: {  	[tilespmem:$0xCB70] =	vst v0  }
0x29: {  	[tilespmem:$0xCB80] =	vst v0  }
0x2a: {  	[tilespmem:$0xCB90] =	vst v0  }
0x2b: {  	[tilespmem:$0xCBA0] =	vst v0  }
0x2c: {  	[tilespmem:$0xCBB0] =	vst v0  }
0x2d: {  	[tilespmem:$0xCBC0] =	vst v0  }
0x2e: {  	[tilespmem:$0xCBD0] =	vst v0  }
0x2f: {  	[tilespmem:$0xCBE0] =	vst v0  }
0x30: {  	[tilespmem:$0xCBF0] =	vst v0  }
0x31: {  	[tilespmem:$0xCC00] =	vst v0  }
0x32: {  	[tilespmem:$0xCC10] =	vst v0  }
0x33: {  	[tilespmem:$0xCC20] =	vst v0  }
0x34: {  	[tilespmem:$0xCC30] =	vst v0  }
0x35: {  	[tilespmem:$0xCC40] =	vst v0  }
0x36: {  	[tilespmem:$0xCC50] =	vst v0  }
0x37: {  	[tilespmem:$0xCC60] =	vst v0  }
0x38: {  	[tilespmem:$0xCC70] =	vst v0  }
0x39: {  	[tilespmem:$0xCC80] =	vst v0  }
0x3a: {  	[tilespmem:$0xCC90] =	vst v0  }
0x3b: {  	[tilespmem:$0xCCA0] =	vst v0  }
0x3c: {  	[tilespmem:$0xCCB0] =	vst v0  }
0x3d: {  	[tilespmem:$0xCCC0] =	vst v0  }
0x3e: {  	[tilespmem:$0xCCD0] =	vst v0  }
0x3f: {  	[tilespmem:$0xCCE0] =	vst v0  }
0x40: {  	[tilespmem:$0xCCF0] =	vst v0  }
0x41: {  	[tilespmem:$0xCD00] =	vst v0  }
0x42: {  	[tilespmem:$0xCD10] =	vst v0  }
0x43: {  	[tilespmem:$0xCD20] =	vst v0  }
0x44: {  	[tilespmem:$0xCD30] =	vst v0  }
0x45: {  	[tilespmem:$0xCD40] =	vst v0  }
0x46: {  	[tilespmem:$0xCD50] =	vst v0  }
0x47: {  	[tilespmem:$0xCD60] =	vst v0  }
0x48: {  	[tilespmem:$0xCD70] =	vst v0  }
0x49: {  	[tilespmem:$0xCD80] =	vst v0  }
0x4a: {  	[tilespmem:$0xCD90] =	vst v0  }
0x4b: {  	[tilespmem:$0xCDA0] =	vst v0  }
0x4c: {  	[tilespmem:$0xCDB0] =	vst v0  }
0x4d: {  	[tilespmem:$0xCDC0] =	vst v0  }
0x4e: {  	[tilespmem:$0xCDD0] =	vst v0  }
0x4f: {  	[tilespmem:$0xCDE0] =	vst v0  }
0x50: {  	[tilespmem:$0xCDF0] =	vst v0  }
0x51: {  	[tilespmem:$0xCE00] =	vst v0  }
0x52: {  	[tilespmem:$0xCE10] =	vst v0  }
0x53: {  	[tilespmem:$0xCE20] =	vst v0  }
0x54: {  	[tilespmem:$0xCE30] =	vst v0  }
0x55: {  	[tilespmem:$0xCE40] =	vst v0  }
0x56: {  	[tilespmem:$0xCE50] =	vst v0  }
0x57: {  	[tilespmem:$0xCE60] =	vst v0  }
0x58: {  	[tilespmem:$0xCE70] =	vst v0  }
0x59: {  	[tilespmem:$0xCE80] =	vst v0  }
0x5a: {  	[tilespmem:$0xCE90] =	vst v0  }
0x5b: {  	[tilespmem:$0xCEA0] =	vst v0  }
0x5c: {  	[tilespmem:$0xCEB0] =	vst v0  }
0x5d: {  	[tilespmem:$0xCEC0] =	vst v0  }
0x5e: {  	[tilespmem:$0xCED0] =	vst v0  }
0x5f: {  	[tilespmem:$0xCEE0] =	vst v0  }
0x60: {  	[tilespmem:$0xCEF0] =	vst v0  }
0x61: {  	[tilespmem:$0xCF00] =	vst v0  }
0x62: {  	[tilespmem:$0xCF10] =	vst v0  }
0x63: {  	[tilespmem:$0xCF20] =	vst v0  }
0x64: {  	[tilespmem:$0xCF30] =	vst v0  }
0x65: {  	[tilespmem:$0xCF40] =	vst v0  }
0x66: {  	[tilespmem:$0xCF50] =	vst v0  }
0x67: {  	[tilespmem:$0xCF60] =	vst v0  }
0x68: {  	[tilespmem:$0xCF70] =	vst v0  }
0x69: {  	[tilespmem:$0xCF80] =	vst v0  }
0x6a: {  	[tilespmem:$0xCF90] =	vst v0  }
0x6b: {  	[tilespmem:$0xCFA0] =	vst v0  }
0x6c: {  	[tilespmem:$0xCFB0] =	vst v0  }
0x6d: {  	[tilespmem:$0xCFC0] =	vst v0  }
0x6e: {  	[tilespmem:$0xCFD0] =	vst v0  }
0x6f: {  	[tilespmem:$0xCFE0] =	vst v0  }
0x70: {  	[tilespmem:$0xCFF0] =	vst v0  }
0x71: {  	[tilespmem:$0xD000] =	vst v0  }
0x72: {  	[tilespmem:$0xD010] =	vst v0  }
0x73: {  	[tilespmem:$0xD020] =	vst v0;
	s14 =	simm.s32 $0x0  }
.LBB2_3:
0x74: {  	s15 =	smul.u32 $0x190, s14;
	_ =	sdelay $0x1  }
0x75: {  	s15 =	sadd.s32 s5, s15  }
0x76: {  	s16 =	sshll.u32 s15, $0x4  }
0x77: {  	s16 =	sadd.s32 s2, s16  }
0x78: {  	[tilespmem:s13], [sflag:$0x1] =	stream.linear.gather [hbm4b:s16+s13], $0xC800, $0x38;
	[tilespmem:$0xD080] =	vst v63  }
0x79: {  	_ =	swait.ge [sflag:s8], $0xC800  }
0x7a: {  	s15 =	sshrl.u32 s15, $0x3;
	[sflag:s8] =	ssyncset.done $0x0  }
0x7b: {  	s15 =	sadd.s32 s3, s15;
	[sflag:s8] =	ssyncadd.s32 $0xFFFF3800  }
0x7c: {  	[tilespmem:s9], [sflag:$0x1] =	stream.linear.gather [hbm4b:s15+s13], $0x190, $0x38;
	[tilespmem:$0xD080] =	vst v63  }
0x7d: {  	_ =	swait.ge [sflag:s8], $0x190  }
0x7e: {  	[sflag:s8] =	ssyncset.done $0x0  }
0x7f: {  	s16 =	simm.s32 $0x0;
	[sflag:s8] =	ssyncadd.s32 $0xFFFFFE70  }
0x80: {  	v1 =	vld [tilespmem:s16+$0xC800];
	_ =	sdelay $0x4  }
0x81: {  	v1 =	vmul.u32 $0xC0, v1;
	_ =	sdelay $0x1  }
0x82: {  	v1 =	vshra.s32 v1, $0x2  }
0x83: {  	(v2sf) =	vpush v1, $0x0;
	_ =	sdelay $0xd  }
0x84: {  	s15 =	simm.s32 $0x400  }
0x85: {  	v2 =	vld [tilespmem:s15+$0xFFFFFC00];
	s17 =	spop (v2sf)  }
0x86: {  	(v2sf) =	vpush v1, $0x1;
	v3 =	vld [tilespmem:s17+$0xCA00];
	_ =	sdelay $0x4  }
0x87: {  	v2 =	vadd.f32 v2, v3  }
0x88: {  	v3 =	vld [tilespmem:s17+$0xCA20]  }
0x89: {  	[tilespmem:s17+$0xCA00] =	vst v2;
	v2 =	vld [tilespmem:s17+$0xCA10]  }
0x8a: {  	v4 =	vld [tilespmem:s15+$0xFFFFFC10];
	_ =	sdelay $0x3  }
0x8b: {  	v3 =	vadd.f32 $1.000000000e+00, v3  }
0x8c: {  	v2 =	vadd.f32 v4, v2  }
0x8d: {  	[tilespmem:s17+$0xCA20] =	vst v3  }
0x8e: {  	s18 =	spop (v2sf);
	[tilespmem:s17+$0xCA10] =	vst v2  }
0x8f: {  	v2 =	vld [tilespmem:s18+$0xCA00]  }
0x90: {  	(v2sf) =	vpush v1, $0x2;
	v3 =	vld [tilespmem:s15+$0xFFFFFC80];
	_ =	sdelay $0x4  }
0x91: {  	v2 =	vadd.f32 v3, v2  }
0x92: {  	v3 =	vld [tilespmem:s18+$0xCA20]  }
0x93: {  	[tilespmem:s18+$0xCA00] =	vst v2;
	v2 =	vld [tilespmem:s18+$0xCA10]  }
0x94: {  	v50 =	vld [tilespmem:s15+$0xFFFFFC90];
	_ =	sdelay $0x3  }
0x95: {  	v3 =	vadd.f32 $1.000000000e+00, v3  }
0x96: {  	v2 =	vadd.f32 v50, v2  }
0x97: {  	[tilespmem:s18+$0xCA20] =	vst v3  }
0x98: {  	s19 =	spop (v2sf);
	[tilespmem:s18+$0xCA10] =	vst v2  }
0x99: {  	v2 =	vld [tilespmem:s19+$0xCA00]  }
0x9a: {  	(v2sf) =	vpush v1, $0x3;
	v3 =	vld [tilespmem:s15+$0xFFFFFD00];
	_ =	sdelay $0x4  }
0x9b: {  	v2 =	vadd.f32 v3, v2  }
0x9c: {  	v3 =	vld [tilespmem:s19+$0xCA10]  }
0x9d: {  	[tilespmem:s19+$0xCA00] =	vst v2;
	v2 =	vld [tilespmem:s19+$0xCA20]  }
0x9e: {  	v51 =	vld [tilespmem:s15+$0xFFFFFD10];
	_ =	sdelay $0x3  }
0x9f: {  	v2 =	vadd.f32 $1.000000000e+00, v2  }
0xa0: {  	v3 =	vadd.f32 v51, v3  }
0xa1: {  	[tilespmem:s19+$0xCA20] =	vst v2  }
0xa2: {  	s20 =	spop (v2sf);
	[tilespmem:s19+$0xCA10] =	vst v3  }
0xa3: {  	v2 =	vld [tilespmem:s20+$0xCA00]  }
0xa4: {  	(v2sf) =	vpush v1, $0x4;
	v3 =	vld [tilespmem:s15+$0xFFFFFD80];
	_ =	sdelay $0x4  }
0xa5: {  	v2 =	vadd.f32 v3, v2  }
0xa6: {  	v3 =	vld [tilespmem:s20+$0xCA20]  }
0xa7: {  	[tilespmem:s20+$0xCA00] =	vst v2;
	v2 =	vld [tilespmem:s20+$0xCA10]  }
0xa8: {  	v52 =	vld [tilespmem:s15+$0xFFFFFD90];
	_ =	sdelay $0x3  }
0xa9: {  	v3 =	vadd.f32 $1.000000000e+00, v3  }
0xaa: {  	v2 =	vadd.f32 v52, v2  }
0xab: {  	[tilespmem:s20+$0xCA20] =	vst v3  }
0xac: {  	s21 =	spop (v2sf);
	[tilespmem:s20+$0xCA10] =	vst v2  }
0xad: {  	v2 =	vld [tilespmem:s21+$0xCA00]  }
0xae: {  	(v2sf) =	vpush v1, $0x5;
	v3 =	vld [tilespmem:s15+$0xFFFFFE00];
	_ =	sdelay $0x4  }
0xaf: {  	v2 =	vadd.f32 v3, v2  }
0xb0: {  	v3 =	vld [tilespmem:s21+$0xCA20]  }
0xb1: {  	[tilespmem:s21+$0xCA00] =	vst v2;
	v2 =	vld [tilespmem:s21+$0xCA10]  }
0xb2: {  	v53 =	vld [tilespmem:s15+$0xFFFFFE10];
	_ =	sdelay $0x3  }
0xb3: {  	v3 =	vadd.f32 $1.000000000e+00, v3  }
0xb4: {  	v2 =	vadd.f32 v53, v2  }
0xb5: {  	[tilespmem:s21+$0xCA20] =	vst v3  }
0xb6: {  	s22 =	spop (v2sf);
	[tilespmem:s21+$0xCA10] =	vst v2  }
0xb7: {  	v2 =	vld [tilespmem:s22+$0xCA00]  }
0xb8: {  	(v2sf) =	vpush v1, $0x6;
	v3 =	vld [tilespmem:s15+$0xFFFFFE80];
	_ =	sdelay $0x4  }
0xb9: {  	v2 =	vadd.f32 v3, v2  }
0xba: {  	v3 =	vld [tilespmem:s22+$0xCA10]  }
0xbb: {  	[tilespmem:s22+$0xCA00] =	vst v2;
	v2 =	vld [tilespmem:s22+$0xCA20]  }
0xbc: {  	v54 =	vld [tilespmem:s15+$0xFFFFFE90];
	_ =	sdelay $0x3  }
0xbd: {  	v2 =	vadd.f32 $1.000000000e+00, v2  }
0xbe: {  	v3 =	vadd.f32 v54, v3  }
0xbf: {  	[tilespmem:s22+$0xCA20] =	vst v2  }
0xc0: {  	s23 =	spop (v2sf);
	[tilespmem:s22+$0xCA10] =	vst v3  }
0xc1: {  	v2 =	vld [tilespmem:s23+$0xCA00]  }
0xc2: {  	(v2sf) =	vpush v1, $0x7;
	v3 =	vld [tilespmem:s15+$0xFFFFFF00];
	_ =	sdelay $0x4  }
0xc3: {  	v2 =	vadd.f32 v3, v2  }
0xc4: {  	v3 =	vld [tilespmem:s23+$0xCA20]  }
0xc5: {  	[tilespmem:s23+$0xCA00] =	vst v2;
	v2 =	vld [tilespmem:s23+$0xCA10]  }
0xc6: {  	v55 =	vld [tilespmem:s15+$0xFFFFFF10];
	_ =	sdelay $0x3  }
0xc7: {  	v3 =	vadd.f32 $1.000000000e+00, v3  }
0xc8: {  	v2 =	vadd.f32 v55, v2  }
0xc9: {  	[tilespmem:s23+$0xCA20] =	vst v3  }
0xca: {  	s24 =	spop (v2sf);
	[tilespmem:s23+$0xCA10] =	vst v2  }
0xcb: {  	v2 =	vld [tilespmem:s24+$0xCA00]  }
0xcc: {  	(v2sf) =	vpush v1, $0x8;
	v3 =	vld [tilespmem:s15+$0xFFFFFF80];
	_ =	sdelay $0x4  }
0xcd: {  	v2 =	vadd.f32 v3, v2  }
0xce: {  	v3 =	vld [tilespmem:s24+$0xCA20]  }
0xcf: {  	[tilespmem:s24+$0xCA00] =	vst v2;
	v2 =	vld [tilespmem:s24+$0xCA10]  }
0xd0: {  	v56 =	vld [tilespmem:s15+$0xFFFFFF90];
	_ =	sdelay $0x3  }
0xd1: {  	v3 =	vadd.f32 $1.000000000e+00, v3  }
0xd2: {  	v2 =	vadd.f32 v56, v2  }
0xd3: {  	[tilespmem:s24+$0xCA20] =	vst v3  }
0xd4: {  	s25 =	spop (v2sf);
	[tilespmem:s24+$0xCA10] =	vst v2  }
0xd5: {  	v2 =	vld [tilespmem:s25+$0xCA00]  }
0xd6: {  	(v2sf) =	vpush v1, $0x9;
	v3 =	vld [tilespmem:s15+$0x0];
	_ =	sdelay $0x4  }
0xd7: {  	v2 =	vadd.f32 v3, v2  }
0xd8: {  	v57 =	vld [tilespmem:s25+$0xCA10]  }
0xd9: {  	v3 =	vld [tilespmem:s25+$0xCA20];
	[tilespmem:s25+$0xCA00] =	vst v2  }
0xda: {  	v2 =	vld [tilespmem:s15+$0x10];
	_ =	sdelay $0x3  }
0xdb: {  	v3 =	vadd.f32 $1.000000000e+00, v3  }
0xdc: {  	v2 =	vadd.f32 v2, v57  }
0xdd: {  	[tilespmem:s25+$0xCA20] =	vst v3  }
0xde: {  	s26 =	spop (v2sf);
	[tilespmem:s25+$0xCA10] =	vst v2  }
0xdf: {  	v2 =	vld [tilespmem:s26+$0xCA00]  }
0xe0: {  	(v2sf) =	vpush v1, $0xA;
	v3 =	vld [tilespmem:s15+$0x80];
	_ =	sdelay $0x4  }
0xe1: {  	v2 =	vadd.f32 v3, v2  }
0xe2: {  	v58 =	vld [tilespmem:s26+$0xCA10]  }
0xe3: {  	v3 =	vld [tilespmem:s26+$0xCA20];
	[tilespmem:s26+$0xCA00] =	vst v2  }
0xe4: {  	v2 =	vld [tilespmem:s15+$0x90];
	_ =	sdelay $0x3  }
0xe5: {  	v3 =	vadd.f32 $1.000000000e+00, v3  }
0xe6: {  	v2 =	vadd.f32 v2, v58  }
0xe7: {  	[tilespmem:s26+$0xCA20] =	vst v3  }
0xe8: {  	s28 =	spop (v2sf);
	[tilespmem:s26+$0xCA10] =	vst v2  }
0xe9: {  	v2 =	vld [tilespmem:s28+$0xCA00]  }
0xea: {  	(v2sf) =	vpush v1, $0xB;
	v3 =	vld [tilespmem:s15+$0x100];
	_ =	sdelay $0x4  }
0xeb: {  	v2 =	vadd.f32 v3, v2  }
0xec: {  	v59 =	vld [tilespmem:s28+$0xCA10]  }
0xed: {  	v3 =	vld [tilespmem:s28+$0xCA20];
	[tilespmem:s28+$0xCA00] =	vst v2  }
0xee: {  	v2 =	vld [tilespmem:s15+$0x110];
	_ =	sdelay $0x3  }
0xef: {  	v3 =	vadd.f32 $1.000000000e+00, v3  }
0xf0: {  	v2 =	vadd.f32 v2, v59  }
0xf1: {  	[tilespmem:s28+$0xCA20] =	vst v3  }
0xf2: {  	s29 =	spop (v2sf);
	[tilespmem:s28+$0xCA10] =	vst v2  }
0xf3: {  	v2 =	vld [tilespmem:s29+$0xCA00]  }
0xf4: {  	(v2sf) =	vpush v1, $0xC;
	v3 =	vld [tilespmem:s15+$0x180];
	_ =	sdelay $0x4  }
0xf5: {  	v2 =	vadd.f32 v3, v2  }
0xf6: {  	v60 =	vld [tilespmem:s29+$0xCA10]  }
0xf7: {  	v3 =	vld [tilespmem:s29+$0xCA20];
	[tilespmem:s29+$0xCA00] =	vst v2  }
0xf8: {  	v2 =	vld [tilespmem:s15+$0x190];
	_ =	sdelay $0x3  }
0xf9: {  	v3 =	vadd.f32 $1.000000000e+00, v3  }
0xfa: {  	v2 =	vadd.f32 v2, v60  }
0xfb: {  	[tilespmem:s29+$0xCA20] =	vst v3  }
0xfc: {  	s30 =	spop (v2sf);
	[tilespmem:s29+$0xCA10] =	vst v2  }
0xfd: {  	v2 =	vld [tilespmem:s30+$0xCA00]  }
0xfe: {  	(v2sf) =	vpush v1, $0xD;
	v3 =	vld [tilespmem:s15+$0x200];
	_ =	sdelay $0x4  }
0xff: {  	v2 =	vadd.f32 v3, v2  }
0x100: {  	v61 =	vld [tilespmem:s30+$0xCA10]  }
0x101: {  	v3 =	vld [tilespmem:s30+$0xCA20];
	[tilespmem:s30+$0xCA00] =	vst v2  }
0x102: {  	v2 =	vld [tilespmem:s15+$0x210];
	_ =	sdelay $0x3  }
0x103: {  	v3 =	vadd.f32 $1.000000000e+00, v3  }
0x104: {  	v2 =	vadd.f32 v2, v61  }
0x105: {  	[tilespmem:s30+$0xCA20] =	vst v3  }
0x106: {  	s31 =	spop (v2sf);
	[tilespmem:s30+$0xCA10] =	vst v2  }
0x107: {  	v2 =	vld [tilespmem:s31+$0xCA00]  }
0x108: {  	(v2sf) =	vpush v1, $0xE;
	v3 =	vld [tilespmem:s15+$0x280];
	_ =	sdelay $0x4  }
0x109: {  	v2 =	vadd.f32 v3, v2  }
0x10a: {  	v62 =	vld [tilespmem:s31+$0xCA10]  }
0x10b: {  	v3 =	vld [tilespmem:s31+$0xCA20];
	[tilespmem:s31+$0xCA00] =	vst v2  }
0x10c: {  	v2 =	vld [tilespmem:s15+$0x290];
	_ =	sdelay $0x3  }
0x10d: {  	v3 =	vadd.f32 $1.000000000e+00, v3  }
0x10e: {  	v2 =	vadd.f32 v2, v62  }
0x10f: {  	[tilespmem:s31+$0xCA20] =	vst v3  }
0x110: {  	s17 =	spop (v2sf);
	[tilespmem:s31+$0xCA10] =	vst v2  }
0x111: {  	v2 =	vld [tilespmem:s17+$0xCA00]  }
0x112: {  	v3 =	vld [tilespmem:s15+$0x300]  }
0x113: {  	(v2sf) =	vpush v1, $0xF;
	_ =	sdelay $0x3  }
0x114: {  	v2 =	vadd.f32 v3, v2  }
0x115: {  	v63 =	vld [tilespmem:s17+$0xCA10]  }
0x116: {  	v3 =	vld [tilespmem:s17+$0xCA20];
	[tilespmem:s17+$0xCA00] =	vst v2  }
0x117: {  	v2 =	vld [tilespmem:s15+$0x310];
	_ =	sdelay $0x3  }
0x118: {  	v3 =	vadd.f32 $1.000000000e+00, v3  }
0x119: {  	v2 =	vadd.f32 v2, v63  }
0x11a: {  	[tilespmem:s17+$0xCA20] =	vst v3  }
0x11b: {  	s16 =	simm.s32 $0x40;
	[tilespmem:s17+$0xCA10] =	vst v2;
	s17 =	simm.s32 $0x400  }
.LBB2_4:
0x11c: {  	p0 =	sne.s32 s16, $0x600;
	v1 =	vld [tilespmem:s15+$0x380];
	s17 =	sadd.s32 $0x800, s17;
	s18 =	spop (v2sf)  }
0x11d: {  	s19 =	smov.u32 s16;
	s16 =	sadd.s32 $0x40, s16;
	v2 =	vld [tilespmem:s18+$0xCA00];
	_ =	sdelay $0x1  }
0x11e: {  	v3 =	vld [tilespmem:s18+$0xCA20];
	_ =	sdelay $0x2  }
0x11f: {  	v1 =	vadd.f32 v1, v2;
	_ =	sdelay $0x1  }
0x120: {  	[tilespmem:s18+$0xCA00] =	vst v1;
	v1 =	vld [tilespmem:s18+$0xCA10];
	v2 =	vadd.f32 $1.000000000e+00, v3  }
0x121: {  	v3 =	vld [tilespmem:s15+$0x390];
	s15 =	smov.u32 s17  }
0x122: {  	[tilespmem:s18+$0xCA20] =	vst v2;
	_ =	sdelay $0x3  }
0x123: {  	v1 =	vadd.f32 v3, v1  }
0x124: {  	s19 =	sshra.s32 s19, $0x2  }
0x125: {  	[tilespmem:s18+$0xCA10] =	vst v1  }
0x126: {  	v1 =	vld [tilespmem:s19+$0xC800];
	_ =	sdelay $0x4  }
0x127: {  	v1 =	vmul.u32 $0xC0, v1;
	_ =	sdelay $0x1  }
0x128: {  	v1 =	vshra.s32 v1, $0x2  }
0x129: {  	(v2sf) =	vpush v1, $0x0;
	_ =	sdelay $0xe  }
0x12a: {  	v2 =	vld [tilespmem:s17+$0xFFFFFC00];
	s18 =	spop (v2sf)  }
0x12b: {  	v3 =	vld [tilespmem:s18+$0xCA00];
	(v2sf) =	vpush v1, $0x1;
	_ =	sdelay $0x4  }
0x12c: {  	v2 =	vadd.f32 v2, v3  }
0x12d: {  	v3 =	vld [tilespmem:s18+$0xCA20]  }
0x12e: {  	[tilespmem:s18+$0xCA00] =	vst v2;
	v2 =	vld [tilespmem:s18+$0xCA10]  }
0x12f: {  	v4 =	vld [tilespmem:s17+$0xFFFFFC10];
	_ =	sdelay $0x2  }
0x130: {  	v3 =	vadd.f32 $1.000000000e+00, v3;
	_ =	sdelay $0x1  }
0x131: {  	v2 =	vadd.f32 v4, v2;
	[tilespmem:s18+$0xCA20] =	vst v3;
	_ =	sdelay $0x1  }
0x132: {  	[tilespmem:s18+$0xCA10] =	vst v2;
	s18 =	spop (v2sf)  }
0x133: {  	v2 =	vld [tilespmem:s18+$0xCA00]  }
0x134: {  	v3 =	vld [tilespmem:s17+$0xFFFFFC80];
	(v2sf) =	vpush v1, $0x2;
	_ =	sdelay $0x4  }
0x135: {  	v2 =	vadd.f32 v3, v2  }
0x136: {  	v3 =	vld [tilespmem:s18+$0xCA20]  }
0x137: {  	[tilespmem:s18+$0xCA00] =	vst v2;
	v2 =	vld [tilespmem:s18+$0xCA10]  }
0x138: {  	v4 =	vld [tilespmem:s17+$0xFFFFFC90];
	_ =	sdelay $0x3  }
0x139: {  	v3 =	vadd.f32 $1.000000000e+00, v3  }
0x13a: {  	v2 =	vadd.f32 v4, v2  }
0x13b: {  	[tilespmem:s18+$0xCA20] =	vst v3  }
0x13c: {  	[tilespmem:s18+$0xCA10] =	vst v2;
	s18 =	spop (v2sf)  }
0x13d: {  	v2 =	vld [tilespmem:s18+$0xCA00]  }
0x13e: {  	v3 =	vld [tilespmem:s17+$0xFFFFFD00];
	(v2sf) =	vpush v1, $0x3  }
0x13f: {  	v4 =	vld [tilespmem:s18+$0xCA10];
	_ =	sdelay $0x3  }
0x140: {  	v2 =	vadd.f32 v3, v2;
	_ =	sdelay $0x1  }
0x141: {  	[tilespmem:s18+$0xCA00] =	vst v2;
	v2 =	vld [tilespmem:s18+$0xCA20]  }
0x142: {  	v3 =	vld [tilespmem:s17+$0xFFFFFD10];
	_ =	sdelay $0x3  }
0x143: {  	v2 =	vadd.f32 $1.000000000e+00, v2  }
0x144: {  	v3 =	vadd.f32 v3, v4  }
0x145: {  	[tilespmem:s18+$0xCA20] =	vst v2  }
0x146: {  	[tilespmem:s18+$0xCA10] =	vst v3;
	s18 =	spop (v2sf)  }
0x147: {  	v2 =	vld [tilespmem:s18+$0xCA00]  }
0x148: {  	v3 =	vld [tilespmem:s17+$0xFFFFFD80];
	(v2sf) =	vpush v1, $0x4  }
0x149: {  	v4 =	vld [tilespmem:s18+$0xCA20];
	_ =	sdelay $0x3  }
0x14a: {  	v2 =	vadd.f32 v3, v2  }
0x14b: {  	v3 =	vadd.f32 $1.000000000e+00, v4  }
0x14c: {  	[tilespmem:s18+$0xCA00] =	vst v2;
	v2 =	vld [tilespmem:s18+$0xCA10]  }
0x14d: {  	v4 =	vld [tilespmem:s17+$0xFFFFFD90];
	_ =	sdelay $0x4  }
0x14e: {  	v2 =	vadd.f32 v4, v2  }
0x14f: {  	[tilespmem:s18+$0xCA20] =	vst v3  }
0x150: {  	[tilespmem:s18+$0xCA10] =	vst v2;
	s18 =	spop (v2sf)  }
0x151: {  	v2 =	vld [tilespmem:s18+$0xCA00]  }
0x152: {  	v3 =	vld [tilespmem:s17+$0xFFFFFE00];
	(v2sf) =	vpush v1, $0x5;
	_ =	sdelay $0x1  }
0x153: {  	v4 =	vld [tilespmem:s18+$0xCA20];
	_ =	sdelay $0x2  }
0x154: {  	v2 =	vadd.f32 v3, v2;
	_ =	sdelay $0x1  }
0x155: {  	[tilespmem:s18+$0xCA00] =	vst v2;
	v2 =	vld [tilespmem:s18+$0xCA10];
	v3 =	vadd.f32 $1.000000000e+00, v4  }
0x156: {  	v4 =	vld [tilespmem:s17+$0xFFFFFE10]  }
0x157: {  	[tilespmem:s18+$0xCA20] =	vst v3;
	_ =	sdelay $0x3  }
0x158: {  	v2 =	vadd.f32 v4, v2;
	_ =	sdelay $0x1  }
0x159: {  	[tilespmem:s18+$0xCA10] =	vst v2;
	s18 =	spop (v2sf)  }
0x15a: {  	v2 =	vld [tilespmem:s18+$0xCA00]  }
0x15b: {  	v3 =	vld [tilespmem:s17+$0xFFFFFE80];
	(v2sf) =	vpush v1, $0x6;
	_ =	sdelay $0x4  }
0x15c: {  	v2 =	vadd.f32 v3, v2  }
0x15d: {  	v3 =	vld [tilespmem:s18+$0xCA10]  }
0x15e: {  	[tilespmem:s18+$0xCA00] =	vst v2;
	v2 =	vld [tilespmem:s18+$0xCA20]  }
0x15f: {  	v4 =	vld [tilespmem:s17+$0xFFFFFE90];
	_ =	sdelay $0x3  }
0x160: {  	v2 =	vadd.f32 $1.000000000e+00, v2  }
0x161: {  	v3 =	vadd.f32 v4, v3  }
0x162: {  	[tilespmem:s18+$0xCA20] =	vst v2  }
0x163: {  	[tilespmem:s18+$0xCA10] =	vst v3;
	s18 =	spop (v2sf)  }
0x164: {  	v2 =	vld [tilespmem:s18+$0xCA00]  }
0x165: {  	v3 =	vld [tilespmem:s17+$0xFFFFFF00];
	(v2sf) =	vpush v1, $0x7;
	_ =	sdelay $0x4  }
0x166: {  	v2 =	vadd.f32 v3, v2  }
0x167: {  	v3 =	vld [tilespmem:s18+$0xCA20]  }
0x168: {  	[tilespmem:s18+$0xCA00] =	vst v2;
	v2 =	vld [tilespmem:s18+$0xCA10]  }
0x169: {  	v4 =	vld [tilespmem:s17+$0xFFFFFF10];
	_ =	sdelay $0x3  }
0x16a: {  	v3 =	vadd.f32 $1.000000000e+00, v3  }
0x16b: {  	v2 =	vadd.f32 v4, v2  }
0x16c: {  	[tilespmem:s18+$0xCA20] =	vst v3  }
0x16d: {  	[tilespmem:s18+$0xCA10] =	vst v2;
	s18 =	spop (v2sf)  }
0x16e: {  	v2 =	vld [tilespmem:s18+$0xCA00]  }
0x16f: {  	v3 =	vld [tilespmem:s17+$0xFFFFFF80];
	(v2sf) =	vpush v1, $0x8;
	_ =	sdelay $0x1  }
0x170: {  	v4 =	vld [tilespmem:s18+$0xCA20];
	_ =	sdelay $0x2  }
0x171: {  	v2 =	vadd.f32 v3, v2;
	_ =	sdelay $0x1  }
0x172: {  	[tilespmem:s18+$0xCA00] =	vst v2;
	v2 =	vld [tilespmem:s18+$0xCA10];
	v3 =	vadd.f32 $1.000000000e+00, v4  }
0x173: {  	v4 =	vld [tilespmem:s17+$0xFFFFFF90]  }
0x174: {  	[tilespmem:s18+$0xCA20] =	vst v3;
	_ =	sdelay $0x3  }
0x175: {  	v2 =	vadd.f32 v4, v2;
	_ =	sdelay $0x1  }
0x176: {  	[tilespmem:s18+$0xCA10] =	vst v2;
	s18 =	spop (v2sf)  }
0x177: {  	v2 =	vld [tilespmem:s18+$0xCA00]  }
0x178: {  	v3 =	vld [tilespmem:s17+$0x0];
	(v2sf) =	vpush v1, $0x9  }
0x179: {  	v4 =	vld [tilespmem:s18+$0xCA20]  }
0x17a: {  	v5 =	vld [tilespmem:s18+$0xCA10];
	_ =	sdelay $0x2  }
0x17b: {  	v2 =	vadd.f32 v3, v2;
	_ =	sdelay $0x1  }
0x17c: {  	[tilespmem:s18+$0xCA00] =	vst v2;
	v2 =	vadd.f32 $1.000000000e+00, v4  }
0x17d: {  	v3 =	vld [tilespmem:s17+$0x10]  }
0x17e: {  	[tilespmem:s18+$0xCA20] =	vst v2;
	_ =	sdelay $0x3  }
0x17f: {  	v2 =	vadd.f32 v3, v5;
	_ =	sdelay $0x1  }
0x180: {  	[tilespmem:s18+$0xCA10] =	vst v2;
	s18 =	spop (v2sf)  }
0x181: {  	v2 =	vld [tilespmem:s18+$0xCA00]  }
0x182: {  	v3 =	vld [tilespmem:s17+$0x80];
	(v2sf) =	vpush v1, $0xA  }
0x183: {  	v4 =	vld [tilespmem:s18+$0xCA20]  }
0x184: {  	v5 =	vld [tilespmem:s18+$0xCA10];
	_ =	sdelay $0x2  }
0x185: {  	v2 =	vadd.f32 v3, v2;
	_ =	sdelay $0x1  }
0x186: {  	[tilespmem:s18+$0xCA00] =	vst v2;
	v2 =	vadd.f32 $1.000000000e+00, v4  }
0x187: {  	v3 =	vld [tilespmem:s17+$0x90]  }
0x188: {  	[tilespmem:s18+$0xCA20] =	vst v2;
	_ =	sdelay $0x3  }
0x189: {  	v2 =	vadd.f32 v3, v5;
	_ =	sdelay $0x1  }
0x18a: {  	[tilespmem:s18+$0xCA10] =	vst v2;
	s18 =	spop (v2sf)  }
0x18b: {  	v2 =	vld [tilespmem:s18+$0xCA00]  }
0x18c: {  	v3 =	vld [tilespmem:s17+$0x100];
	(v2sf) =	vpush v1, $0xB  }
0x18d: {  	v4 =	vld [tilespmem:s18+$0xCA20]  }
0x18e: {  	v5 =	vld [tilespmem:s18+$0xCA10];
	_ =	sdelay $0x2  }
0x18f: {  	v2 =	vadd.f32 v3, v2;
	_ =	sdelay $0x1  }
0x190: {  	[tilespmem:s18+$0xCA00] =	vst v2;
	v2 =	vadd.f32 $1.000000000e+00, v4  }
0x191: {  	v3 =	vld [tilespmem:s17+$0x110]  }
0x192: {  	[tilespmem:s18+$0xCA20] =	vst v2;
	_ =	sdelay $0x3  }
0x193: {  	v2 =	vadd.f32 v3, v5;
	_ =	sdelay $0x1  }
0x194: {  	[tilespmem:s18+$0xCA10] =	vst v2;
	s18 =	spop (v2sf)  }
0x195: {  	v2 =	vld [tilespmem:s18+$0xCA00]  }
0x196: {  	v3 =	vld [tilespmem:s17+$0x180];
	(v2sf) =	vpush v1, $0xC  }
0x197: {  	v4 =	vld [tilespmem:s18+$0xCA20]  }
0x198: {  	v5 =	vld [tilespmem:s18+$0xCA10];
	_ =	sdelay $0x2  }
0x199: {  	v2 =	vadd.f32 v3, v2;
	_ =	sdelay $0x1  }
0x19a: {  	[tilespmem:s18+$0xCA00] =	vst v2;
	v2 =	vadd.f32 $1.000000000e+00, v4  }
0x19b: {  	v3 =	vld [tilespmem:s17+$0x190]  }
0x19c: {  	[tilespmem:s18+$0xCA20] =	vst v2;
	_ =	sdelay $0x3  }
0x19d: {  	v2 =	vadd.f32 v3, v5;
	_ =	sdelay $0x1  }
0x19e: {  	[tilespmem:s18+$0xCA10] =	vst v2;
	s18 =	spop (v2sf)  }
0x19f: {  	v2 =	vld [tilespmem:s18+$0xCA00]  }
0x1a0: {  	v3 =	vld [tilespmem:s17+$0x200];
	(v2sf) =	vpush v1, $0xD  }
0x1a1: {  	v4 =	vld [tilespmem:s18+$0xCA20]  }
0x1a2: {  	v5 =	vld [tilespmem:s18+$0xCA10];
	_ =	sdelay $0x2  }
0x1a3: {  	v2 =	vadd.f32 v3, v2;
	_ =	sdelay $0x1  }
0x1a4: {  	[tilespmem:s18+$0xCA00] =	vst v2;
	v2 =	vadd.f32 $1.000000000e+00, v4  }
0x1a5: {  	v3 =	vld [tilespmem:s17+$0x210]  }
0x1a6: {  	[tilespmem:s18+$0xCA20] =	vst v2;
	_ =	sdelay $0x3  }
0x1a7: {  	v2 =	vadd.f32 v3, v5;
	_ =	sdelay $0x1  }
0x1a8: {  	[tilespmem:s18+$0xCA10] =	vst v2;
	s18 =	spop (v2sf)  }
0x1a9: {  	v2 =	vld [tilespmem:s18+$0xCA00]  }
0x1aa: {  	v3 =	vld [tilespmem:s17+$0x280];
	(v2sf) =	vpush v1, $0xE  }
0x1ab: {  	v4 =	vld [tilespmem:s18+$0xCA20]  }
0x1ac: {  	v5 =	vld [tilespmem:s18+$0xCA10];
	_ =	sdelay $0x2  }
0x1ad: {  	v2 =	vadd.f32 v3, v2;
	_ =	sdelay $0x1  }
0x1ae: {  	[tilespmem:s18+$0xCA00] =	vst v2;
	v2 =	vadd.f32 $1.000000000e+00, v4  }
0x1af: {  	v3 =	vld [tilespmem:s17+$0x290]  }
0x1b0: {  	[tilespmem:s18+$0xCA20] =	vst v2;
	_ =	sdelay $0x3  }
0x1b1: {  	v2 =	vadd.f32 v3, v5;
	_ =	sdelay $0x1  }
0x1b2: {  	[tilespmem:s18+$0xCA10] =	vst v2;
	s18 =	spop (v2sf)  }
0x1b3: {  	v2 =	vld [tilespmem:s18+$0xCA00]  }
0x1b4: {  	v3 =	vld [tilespmem:s17+$0x300]  }
0x1b5: {  	v4 =	vld [tilespmem:s18+$0xCA20];
	(v2sf) =	vpush v1, $0xF  }
0x1b6: {  	v1 =	vld [tilespmem:s18+$0xCA10];
	_ =	sdelay $0x2  }
0x1b7: {  	v2 =	vadd.f32 v3, v2;
	_ =	sdelay $0x1  }
0x1b8: {  	[tilespmem:s18+$0xCA00] =	vst v2;
	v2 =	vadd.f32 $1.000000000e+00, v4  }
0x1b9: {  	v3 =	vld [tilespmem:s17+$0x310]  }
0x1ba: {  	[tilespmem:s18+$0xCA20] =	vst v2;
	_ =	sdelay $0x1  }
.Ltmp1:
0x1bb: {  	(pc) =	sbr.rel @p0 .LBB2_4-.Ltmp1, $3  }
0x1bc: {  	_ = 	snop  }
0x1bd: {  	v1 =	vadd.f32 v3, v1;
	_ =	sdelay $0x1  }
0x1be: {  	[tilespmem:s18+$0xCA10] =	vst v1  }
0x1bf: {  	v1 =	vld [tilespmem:s15+$0x380];
	s16 =	spop (v2sf)  }
0x1c0: {  	v2 =	vld [tilespmem:s16+$0xCA00];
	_ =	sdelay $0x4  }
0x1c1: {  	v1 =	vadd.f32 v1, v2  }
0x1c2: {  	v2 =	vld [tilespmem:s16+$0xCA20]  }
0x1c3: {  	[tilespmem:s16+$0xCA00] =	vst v1;
	v1 =	vld [tilespmem:s16+$0xCA10]  }
0x1c4: {  	v3 =	vld [tilespmem:s15+$0x390]  }
0x1c5: {  	s14 =	sadd.s32 $0x1, s14  }
0x1c6: {  	p0 =	sne.s32 s14, $0xA  }
.Ltmp2:
0x1c7: {  	_ = 	snop;
	(pc) =	sbr.rel @p0 .LBB2_3-.Ltmp2, $4  }
0x1c8: {  	v2 =	vadd.f32 $1.000000000e+00, v2  }
0x1c9: {  	v1 =	vadd.f32 v3, v1  }
0x1ca: {  	[tilespmem:s16+$0xCA20] =	vst v2  }
0x1cb: {  	[tilespmem:s16+$0xCA10] =	vst v1  }
0x1cc: {  	s4 =	sadd.s32 $0x1, s4  }
0x1cd: {  	p0 =	sne.s32 s4, s7  }
.Ltmp3:
0x1ce: {  	_ = 	snop;
	(pc) =	sbr.rel @p0 .LBB2_2-.Ltmp3, $4  }
0x1cf: {  	[hbm4b:s6+s10] =	stream.strided.scatter [tilespmem:s12], [sflag:$0x1], $0x680, s11, s10, $0x38;
	[tilespmem:$0xD080] =	vst v63  }
0x1d0: {  	_ =	swait.ge [sflag:s8], $0x680  }
0x1d1: {  	[sflag:s8] =	ssyncset.done $0x0  }
0x1d2: {  	[sflag:s8] =	ssyncadd.s32 $0xFFFFF980  }
.LBB2_7:
0x1d3: {  	_ =	sfence.sel $0x180000  }
0x1d4: {  	[bflag:$0x0] =	sbarrier.arrive $0xFFFF  }
0x1d5: {  	p0 =	sne.s32 s0, $0x0;
	_ =	strace $0x90000047  }
0x1d6: {  	s0 =	sadd.s32 @!p0 $0x100000, s1;
	[bflag:$0x2] =	sbarrier.arrive $0xFFFF  }
0x1d7: {  	[sflag:s0] =	ssyncadd.tile.s32 @!p0 $0x1;
	_ =	shalt  }
.Lfunc_end2:
_tile_overlayer_lowered:
.L_overlay_start_2:
0x1d8: {  	(tag) =	ssettag $0x2  }
0x1d9: {  	s0 =	rddreg [dreg:$0x0];
	s2 =	stileid.u32  }
0x1da: {  	s1 =	rddreg [dreg:$0x1];
	p0 =	sne.s32 s2, $0x0  }
0x1db: {  	s3 =	rddreg [dreg:$0x2];
	[bflag:$0x3] =	sbarrier.arrive $0xFFFF;
	s2 =	simm.s32 @!p0 $0x1C01  }
0x1dc: {  	[timem:s3], [sflag:s2] =	dma.local @!p0 [hbm:s0], s1  }
0x1dd: {  	s0 =	simm.s32 @!p0 $0x1  }
0x1de: {  	_ =	swait.ge @!p0 [sflag:s0], s1  }
0x1df: {  	s1 =	ssub.s32 @!p0 $0x0, s1;
	[sflag:s0] =	ssyncset.done @!p0 $0x0  }
0x1e0: {  	[sflag:s0] =	ssyncadd.s32 @!p0 s1  }
0x1e1: {  	[bflag:$0x3] =	sbarrier.arrive $0xFFFF  }
0x1e2: {  	_ =	shalt  }

</sc_bundles>
